<compile_context>
chip_gen: v7x
topology: tpu7x:2x2x1
jax: 0.10.2.dev20260603
libtpu: 0.0.44.dev20260713+nightly
codegen_flags: <defaults>
</compile_context>

<pallas_src>
import functools

import jax
import jax.numpy as jnp
from jax import lax
from jax.experimental import pallas as pl
from jax.experimental.pallas import tpu as pltpu
from jax.experimental.pallas import tpu_sc as plsc

_WH = 32
_WW = 32
_H = 16
_S = 2 * _WH - 1
_N = _WH * _WW

_mesh = plsc.VectorSubcoreMesh(core_axis_name="c", subcore_axis_name="s")


@functools.partial(
    pl.kernel,
    out_type=jax.ShapeDtypeStruct((_H, _WH, _S, _WW), jnp.float32),
    mesh=_mesh,
    compiler_params=pltpu.CompilerParams(use_tc_tiling_on_sc=False),
    scratch_types=[
        pltpu.VMEM((_WH // 2, _S, _WW), jnp.float32),
        pltpu.SemaphoreType.DMA,
    ],
)
def _im2col(r2sh_hbm, e_hbm, e_v, sem):
    wid = lax.axis_index("s") * 2 + lax.axis_index("c")
    h = wid // 2
    half = wid % 2

    copies = []
    for t in range(_WH // 2):
        iw = half * (_WH // 2) + t
        o = 31 - iw
        copies.append(pltpu.async_copy(
            r2sh_hbm.at[o % 8, h, :, pl.ds(8 * (o // 8), _WW)],
            e_v.at[t],
            sem,
        ))
    for c in copies:
        c.wait()
    pltpu.sync_copy(e_v, e_hbm.at[h, pl.ds(half * (_WH // 2), _WH // 2)])


def _replicate_body(e_ref, o_ref):
    for ih in range(_WH):
        o_ref[0, ih * _WH:(ih + 1) * _WH, :] = (
            e_ref[0, :, (31 - ih) * _WW:(31 - ih) * _WW + _N])


_replicate = pl.pallas_call(
    _replicate_body,
    grid=(_H,),
    in_specs=[pl.BlockSpec((1, _WH, _S * _WW), lambda h: (h, 0, 0))],
    out_specs=pl.BlockSpec((1, _N, _N), lambda h: (h, 0, 0)),
    out_shape=jax.ShapeDtypeStruct((_H, _N, _N), jnp.float32),
)


def kernel(relative_position_bias_table, relative_position_index, window_size):
    del relative_position_index, window_size
    table = relative_position_bias_table.astype(jnp.float32)
    r2 = jnp.flip(table.reshape(_S, _S, _H), axis=(0, 1)).transpose(2, 0, 1)
    r2p = jnp.pad(r2, ((0, 0), (0, 0), (0, 8)))
    r2sh = jnp.stack([r2p[:, :, p:p + 64] for p in range(8)])
    e = _im2col(r2sh)
    out = _replicate(e.reshape(_H, _WH, _S * _WW))
    return out[None]

# --- scband reference (transcript-rebuilt; emitter-appended) ---
"""Pipeline reference for scband-rel-pos-bias-48163763258133 (READ-ONLY COPY).

The authoritative reference and input builder live on the scoring server;
editing this copy changes nothing except your own understanding.
"""

import jax, jax.numpy as jnp
import numpy as np

WH, WW = 32, 32
NUM_HEADS = 16

def build_relative_position_index(wh, ww):
    coords_h = jnp.arange(wh)
    coords_w = jnp.arange(ww)
    coords = jnp.stack(jnp.meshgrid(coords_h, coords_w, indexing='ij'))  # [2, wh, ww]
    coords_flatten = coords.reshape(2, -1)  # [2, wh*ww]
    relative_coords = coords_flatten[:, :, None] - coords_flatten[:, None, :]  # [2, N, N]
    relative_coords = jnp.transpose(relative_coords, (1, 2, 0))  # [N, N, 2]
    r0 = (relative_coords[:, :, 0] + (wh - 1)) * (2 * ww - 1)
    r1 = relative_coords[:, :, 1] + (ww - 1)
    return (r0 + r1).reshape(-1)  # [N*N]

def setup_inputs(seed: int = 0) -> dict:
    key = jax.random.key(seed)
    table_rows = (2 * WH - 1) * (2 * WW - 1)  # 3969
    k1, _ = jax.random.split(key)
    # trunc_normal_(std=0.02) approximated by clipped normal
    bias_table = jnp.clip(jax.random.normal(k1, (table_rows, NUM_HEADS), dtype=jnp.float32) * 0.02, -0.04, 0.04)
    rel_pos_index = build_relative_position_index(WH, WW).astype(jnp.int64)
    window_size = jnp.array([WH, WW], dtype=jnp.int64)
    return {
        'relative_position_bias_table': bias_table,
        'relative_position_index': rel_pos_index,
        'window_size': window_size,
    }

def reference(relative_position_bias_table, relative_position_index, window_size):
    # dynamic_size=False path: window_size arg is ignored, use the module's own window
    N = WH * WW
    relative_position_bias = jnp.take(relative_position_bias_table, relative_position_index, axis=0)  # [N*N, H]
    relative_position_bias = relative_position_bias.reshape(N, N, -1)
    relative_position_bias = jnp.transpose(relative_position_bias, (2, 0, 1))  # [H, N, N]
    return relative_position_bias[None]  # [1, H, N, N]

if __name__ == "__main__":
    import jax
    _d = setup_inputs()
    print(jax.jit(kernel)(*tuple(_d.values())))

</pallas_src>

<mosaic_0001>
#map = affine_map<(d0, d1) -> (0, 0, 0, 0)>
module attributes {stable_mosaic.version = 14 : i64} {
  func.func @_im2col(%arg0: i32, %arg1: i32, %arg2: memref<8x16x63x64xf32, #tpu.memory_space<hbm>>, %arg3: memref<16x32x63x32xf32, #tpu.memory_space<hbm>>, %arg4: memref<16x63x32xf32, #tpu.memory_space<vmem>>, %arg5: memref<!tpu.dma_semaphore, #tpu.memory_space<semaphore_mem>>) attributes {dimension_semantics = [#tpu.dimension_semantics<core_parallel>, #tpu.dimension_semantics<subcore_parallel>], iteration_bounds = array<i64: 2, 16>, scalar_prefetch = 0 : i64, scratch_operands = 2 : i64, tpu.core_type = #tpu.core_type<sc_vector_subcore>, window_params = [{transform_indices = #map}, {transform_indices = #map}]} {
    %mul3A = arith.constant 2 : i32
    %mul3A_0 = arith.muli %arg1, %mul3A : i32
    %add3A = arith.addi %mul3A_0, %arg0 : i32
    %jit3A = arith.constant 2 : i32
    %div3A = arith.divsi %add3A, %jit3A : i32
    %sign3A = arith.constant 0 : i32
    %sign3A_1 = arith.cmpi sgt, %add3A, %sign3A : i32
    %sign3A_2 = arith.extui %sign3A_1 : i1 to i32
    %sign3A_3 = arith.constant 0 : i32
    %sign3A_4 = arith.cmpi slt, %add3A, %sign3A_3 : i32
    %sign3A_5 = arith.extui %sign3A_4 : i1 to i32
    %sign3A_6 = arith.subi %sign3A_2, %sign3A_5 : i32
    %sign3A_7 = arith.constant 0 : i32
    %sign3A_8 = arith.cmpi sgt, %jit3A, %sign3A_7 : i32
    %sign3A_9 = arith.extui %sign3A_8 : i1 to i32
    %sign3A_10 = arith.constant 0 : i32
    %sign3A_11 = arith.cmpi slt, %jit3A, %sign3A_10 : i32
    %sign3A_12 = arith.extui %sign3A_11 : i1 to i32
    %sign3A_13 = arith.subi %sign3A_9, %sign3A_12 : i32
    %ne3A = arith.cmpi ne, %sign3A_6, %sign3A_13 : i32
    %rem3A = arith.remsi %add3A, %jit3A : i32
    %ne3A_14 = arith.constant 0 : i32
    %ne3A_15 = arith.cmpi ne, %rem3A, %ne3A_14 : i32
    %and3A = arith.andi %ne3A, %ne3A_15 : i1
    %sub3A = arith.constant 1 : i32
    %sub3A_16 = arith.subi %div3A, %sub3A : i32
    %select_n3A = arith.select %and3A, %sub3A_16, %div3A : i32
    %jit3A_17 = arith.constant 2 : i32
    %eq3A = arith.constant 0 : i32
    %eq3A_18 = arith.cmpi eq, %jit3A_17, %eq3A : i32
    %jit3A_19 = arith.constant 1 : i32
    %select_n3A_20 = arith.select %eq3A_18, %jit3A_19, %jit3A_17 : i32
    %rem3A_21 = arith.remsi %add3A, %select_n3A_20 : i32
    %ne3A_22 = arith.constant 0 : i32
    %ne3A_23 = arith.cmpi ne, %rem3A_21, %ne3A_22 : i32
    %lt3A = arith.constant 0 : i32
    %lt3A_24 = arith.cmpi slt, %rem3A_21, %lt3A : i32
    %lt3A_25 = arith.constant 0 : i32
    %lt3A_26 = arith.cmpi slt, %select_n3A_20, %lt3A_25 : i32
    %ne3A_27 = arith.xori %lt3A_24, %lt3A_26 : i1
    %and3A_28 = arith.andi %ne3A_27, %ne3A_23 : i1
    %add3A_29 = arith.addi %rem3A_21, %select_n3A_20 : i32
    %select_n3A_30 = arith.select %and3A_28, %add3A_29, %rem3A_21 : i32
    %mul3A_31 = arith.constant 16 : i32
    %mul3A_32 = arith.muli %select_n3A_30, %mul3A_31 : i32
    %add3A_33 = arith.constant 0 : i32
    %add3A_34 = arith.addi %mul3A_32, %add3A_33 : i32
    %sub3A_35 = arith.constant 31 : i32
    %sub3A_36 = arith.subi %sub3A_35, %add3A_34 : i32
    %jit3A_37 = arith.constant 8 : i32
    %eq3A_38 = arith.constant 0 : i32
    %eq3A_39 = arith.cmpi eq, %jit3A_37, %eq3A_38 : i32
    %jit3A_40 = arith.constant 1 : i32
    %select_n3A_41 = arith.select %eq3A_39, %jit3A_40, %jit3A_37 : i32
    %rem3A_42 = arith.remsi %sub3A_36, %select_n3A_41 : i32
    %ne3A_43 = arith.constant 0 : i32
    %ne3A_44 = arith.cmpi ne, %rem3A_42, %ne3A_43 : i32
    %lt3A_45 = arith.constant 0 : i32
    %lt3A_46 = arith.cmpi slt, %rem3A_42, %lt3A_45 : i32
    %lt3A_47 = arith.constant 0 : i32
    %lt3A_48 = arith.cmpi slt, %select_n3A_41, %lt3A_47 : i32
    %ne3A_49 = arith.xori %lt3A_46, %lt3A_48 : i1
    %and3A_50 = arith.andi %ne3A_49, %ne3A_44 : i1
    %add3A_51 = arith.addi %rem3A_42, %select_n3A_41 : i32
    %select_n3A_52 = arith.select %and3A_50, %add3A_51, %rem3A_42 : i32
    %jit3A_53 = arith.constant 8 : i32
    %div3A_54 = arith.divsi %sub3A_36, %jit3A_53 : i32
    %sign3A_55 = arith.constant 0 : i32
    %sign3A_56 = arith.cmpi sgt, %sub3A_36, %sign3A_55 : i32
    %sign3A_57 = arith.extui %sign3A_56 : i1 to i32
    %sign3A_58 = arith.constant 0 : i32
    %sign3A_59 = arith.cmpi slt, %sub3A_36, %sign3A_58 : i32
    %sign3A_60 = arith.extui %sign3A_59 : i1 to i32
    %sign3A_61 = arith.subi %sign3A_57, %sign3A_60 : i32
    %sign3A_62 = arith.constant 0 : i32
    %sign3A_63 = arith.cmpi sgt, %jit3A_53, %sign3A_62 : i32
    %sign3A_64 = arith.extui %sign3A_63 : i1 to i32
    %sign3A_65 = arith.constant 0 : i32
    %sign3A_66 = arith.cmpi slt, %jit3A_53, %sign3A_65 : i32
    %sign3A_67 = arith.extui %sign3A_66 : i1 to i32
    %sign3A_68 = arith.subi %sign3A_64, %sign3A_67 : i32
    %ne3A_69 = arith.cmpi ne, %sign3A_61, %sign3A_68 : i32
    %rem3A_70 = arith.remsi %sub3A_36, %jit3A_53 : i32
    %ne3A_71 = arith.constant 0 : i32
    %ne3A_72 = arith.cmpi ne, %rem3A_70, %ne3A_71 : i32
    %and3A_73 = arith.andi %ne3A_69, %ne3A_72 : i1
    %sub3A_74 = arith.constant 1 : i32
    %sub3A_75 = arith.subi %div3A_54, %sub3A_74 : i32
    %select_n3A_76 = arith.select %and3A_73, %sub3A_75, %div3A_54 : i32
    %mul3A_77 = arith.constant 8 : i32
    %mul3A_78 = arith.muli %mul3A_77, %select_n3A_76 : i32
    %dma_start3A = arith.constant 0 : i32
    %dma_start3A_79 = arith.constant 0 : i32
    %dma_start3A_80 = arith.constant 0 : i32
    %dma_start3A_81 = tpu.memref_slice %arg4[%dma_start3A, %dma_start3A_79, %dma_start3A_80] : memref<16x63x32xf32, #tpu.memory_space<vmem>> -> memref<1x63x32xf32, #tpu.memory_space<vmem>>
    %dma_start3A_82 = tpu.memref_squeeze %dma_start3A_81 : memref<1x63x32xf32, #tpu.memory_space<vmem>> -> memref<63x32xf32, #tpu.memory_space<vmem>>
    %dma_start3A_83 = arith.constant 0 : i32
    %dma_start3A_84 = tpu.memref_slice %arg2[%select_n3A_52, %select_n3A, %dma_start3A_83, %mul3A_78] : memref<8x16x63x64xf32, #tpu.memory_space<hbm>> -> memref<1x1x63x32xf32, #tpu.memory_space<hbm>>
    %dma_start3A_85 = tpu.memref_squeeze %dma_start3A_84 : memref<1x1x63x32xf32, #tpu.memory_space<hbm>> -> memref<63x32xf32, #tpu.memory_space<hbm>>
    %dma_start3A_86 = arith.constant 0 : i32
    %dma_start3A_87 = arith.constant 0 : i32
    %dma_start3A_88 = tpu.memref_slice %arg4[%dma_start3A, %dma_start3A_86, %dma_start3A_87] : memref<16x63x32xf32, #tpu.memory_space<vmem>> -> memref<1x63x32xf32, #tpu.memory_space<vmem>>
    %dma_start3A_89 = tpu.memref_squeeze %dma_start3A_88 : memref<1x63x32xf32, #tpu.memory_space<vmem>> -> memref<63x32xf32, #tpu.memory_space<vmem>>
    %dma_start3A_90 = arith.constant 0 : i32
    %dma_start3A_91 = tpu.memref_slice %arg2[%select_n3A_52, %select_n3A, %dma_start3A_90, %mul3A_78] : memref<8x16x63x64xf32, #tpu.memory_space<hbm>> -> memref<1x1x63x32xf32, #tpu.memory_space<hbm>>
    %dma_start3A_92 = tpu.memref_squeeze %dma_start3A_91 : memref<1x1x63x32xf32, #tpu.memory_space<hbm>> -> memref<63x32xf32, #tpu.memory_space<hbm>>
    tpu.enqueue_dma source(%dma_start3A_92 : memref<63x32xf32, #tpu.memory_space<hbm>>) target(%dma_start3A_89 : memref<63x32xf32, #tpu.memory_space<vmem>>) target_semaphore(%arg5 : memref<!tpu.dma_semaphore, #tpu.memory_space<semaphore_mem>>)
    %mul3A_93 = arith.constant 16 : i32
    %mul3A_94 = arith.muli %select_n3A_30, %mul3A_93 : i32
    %add3A_95 = arith.constant 1 : i32
    %add3A_96 = arith.addi %mul3A_94, %add3A_95 : i32
    %sub3A_97 = arith.constant 31 : i32
    %sub3A_98 = arith.subi %sub3A_97, %add3A_96 : i32
    %jit3A_99 = arith.constant 8 : i32
    %eq3A_100 = arith.constant 0 : i32
    %eq3A_101 = arith.cmpi eq, %jit3A_99, %eq3A_100 : i32
    %jit3A_102 = arith.constant 1 : i32
    %select_n3A_103 = arith.select %eq3A_101, %jit3A_102, %jit3A_99 : i32
    %rem3A_104 = arith.remsi %sub3A_98, %select_n3A_103 : i32
    %ne3A_105 = arith.constant 0 : i32
    %ne3A_106 = arith.cmpi ne, %rem3A_104, %ne3A_105 : i32
    %lt3A_107 = arith.constant 0 : i32
    %lt3A_108 = arith.cmpi slt, %rem3A_104, %lt3A_107 : i32
    %lt3A_109 = arith.constant 0 : i32
    %lt3A_110 = arith.cmpi slt, %select_n3A_103, %lt3A_109 : i32
    %ne3A_111 = arith.xori %lt3A_108, %lt3A_110 : i1
    %and3A_112 = arith.andi %ne3A_111, %ne3A_106 : i1
    %add3A_113 = arith.addi %rem3A_104, %select_n3A_103 : i32
    %select_n3A_114 = arith.select %and3A_112, %add3A_113, %rem3A_104 : i32
    %jit3A_115 = arith.constant 8 : i32
    %div3A_116 = arith.divsi %sub3A_98, %jit3A_115 : i32
    %sign3A_117 = arith.constant 0 : i32
    %sign3A_118 = arith.cmpi sgt, %sub3A_98, %sign3A_117 : i32
    %sign3A_119 = arith.extui %sign3A_118 : i1 to i32
    %sign3A_120 = arith.constant 0 : i32
    %sign3A_121 = arith.cmpi slt, %sub3A_98, %sign3A_120 : i32
    %sign3A_122 = arith.extui %sign3A_121 : i1 to i32
    %sign3A_123 = arith.subi %sign3A_119, %sign3A_122 : i32
    %sign3A_124 = arith.constant 0 : i32
    %sign3A_125 = arith.cmpi sgt, %jit3A_115, %sign3A_124 : i32
    %sign3A_126 = arith.extui %sign3A_125 : i1 to i32
    %sign3A_127 = arith.constant 0 : i32
    %sign3A_128 = arith.cmpi slt, %jit3A_115, %sign3A_127 : i32
    %sign3A_129 = arith.extui %sign3A_128 : i1 to i32
    %sign3A_130 = arith.subi %sign3A_126, %sign3A_129 : i32
    %ne3A_131 = arith.cmpi ne, %sign3A_123, %sign3A_130 : i32
    %rem3A_132 = arith.remsi %sub3A_98, %jit3A_115 : i32
    %ne3A_133 = arith.constant 0 : i32
    %ne3A_134 = arith.cmpi ne, %rem3A_132, %ne3A_133 : i32
    %and3A_135 = arith.andi %ne3A_131, %ne3A_134 : i1
    %sub3A_136 = arith.constant 1 : i32
    %sub3A_137 = arith.subi %div3A_116, %sub3A_136 : i32
    %select_n3A_138 = arith.select %and3A_135, %sub3A_137, %div3A_116 : i32
    %mul3A_139 = arith.constant 8 : i32
    %mul3A_140 = arith.muli %mul3A_139, %select_n3A_138 : i32
    %dma_start3A_141 = arith.constant 1 : i32
    %dma_start3A_142 = arith.constant 0 : i32
    %dma_start3A_143 = arith.constant 0 : i32
    %dma_start3A_144 = tpu.memref_slice %arg4[%dma_start3A_141, %dma_start3A_142, %dma_start3A_143] : memref<16x63x32xf32, #tpu.memory_space<vmem>> -> memref<1x63x32xf32, #tpu.memory_space<vmem>>
    %dma_start3A_145 = tpu.memref_squeeze %dma_start3A_144 : memref<1x63x32xf32, #tpu.memory_space<vmem>> -> memref<63x32xf32, #tpu.memory_space<vmem>>
    %dma_start3A_146 = arith.constant 0 : i32
    %dma_start3A_147 = tpu.memref_slice %arg2[%select_n3A_114, %select_n3A, %dma_start3A_146, %mul3A_140] : memref<8x16x63x64xf32, #tpu.memory_space<hbm>> -> memref<1x1x63x32xf32, #tpu.memory_space<hbm>>
    %dma_start3A_148 = tpu.memref_squeeze %dma_start3A_147 : memref<1x1x63x32xf32, #tpu.memory_space<hbm>> -> memref<63x32xf32, #tpu.memory_space<hbm>>
    %dma_start3A_149 = arith.constant 0 : i32
    %dma_start3A_150 = arith.constant 0 : i32
    %dma_start3A_151 = tpu.memref_slice %arg4[%dma_start3A_141, %dma_start3A_149, %dma_start3A_150] : memref<16x63x32xf32, #tpu.memory_space<vmem>> -> memref<1x63x32xf32, #tpu.memory_space<vmem>>
    %dma_start3A_152 = tpu.memref_squeeze %dma_start3A_151 : memref<1x63x32xf32, #tpu.memory_space<vmem>> -> memref<63x32xf32, #tpu.memory_space<vmem>>
    %dma_start3A_153 = arith.constant 0 : i32
    %dma_start3A_154 = tpu.memref_slice %arg2[%select_n3A_114, %select_n3A, %dma_start3A_153, %mul3A_140] : memref<8x16x63x64xf32, #tpu.memory_space<hbm>> -> memref<1x1x63x32xf32, #tpu.memory_space<hbm>>
    %dma_start3A_155 = tpu.memref_squeeze %dma_start3A_154 : memref<1x1x63x32xf32, #tpu.memory_space<hbm>> -> memref<63x32xf32, #tpu.memory_space<hbm>>
    tpu.enqueue_dma source(%dma_start3A_155 : memref<63x32xf32, #tpu.memory_space<hbm>>) target(%dma_start3A_152 : memref<63x32xf32, #tpu.memory_space<vmem>>) target_semaphore(%arg5 : memref<!tpu.dma_semaphore, #tpu.memory_space<semaphore_mem>>)
    %mul3A_156 = arith.constant 16 : i32
    %mul3A_157 = arith.muli %select_n3A_30, %mul3A_156 : i32
    %add3A_158 = arith.constant 2 : i32
    %add3A_159 = arith.addi %mul3A_157, %add3A_158 : i32
    %sub3A_160 = arith.constant 31 : i32
    %sub3A_161 = arith.subi %sub3A_160, %add3A_159 : i32
    %jit3A_162 = arith.constant 8 : i32
    %eq3A_163 = arith.constant 0 : i32
    %eq3A_164 = arith.cmpi eq, %jit3A_162, %eq3A_163 : i32
    %jit3A_165 = arith.constant 1 : i32
    %select_n3A_166 = arith.select %eq3A_164, %jit3A_165, %jit3A_162 : i32
    %rem3A_167 = arith.remsi %sub3A_161, %select_n3A_166 : i32
    %ne3A_168 = arith.constant 0 : i32
    %ne3A_169 = arith.cmpi ne, %rem3A_167, %ne3A_168 : i32
    %lt3A_170 = arith.constant 0 : i32
    %lt3A_171 = arith.cmpi slt, %rem3A_167, %lt3A_170 : i32
    %lt3A_172 = arith.constant 0 : i32
    %lt3A_173 = arith.cmpi slt, %select_n3A_166, %lt3A_172 : i32
    %ne3A_174 = arith.xori %lt3A_171, %lt3A_173 : i1
    %and3A_175 = arith.andi %ne3A_174, %ne3A_169 : i1
    %add3A_176 = arith.addi %rem3A_167, %select_n3A_166 : i32
    %select_n3A_177 = arith.select %and3A_175, %add3A_176, %rem3A_167 : i32
    %jit3A_178 = arith.constant 8 : i32
    %div3A_179 = arith.divsi %sub3A_161, %jit3A_178 : i32
    %sign3A_180 = arith.constant 0 : i32
    %sign3A_181 = arith.cmpi sgt, %sub3A_161, %sign3A_180 : i32
    %sign3A_182 = arith.extui %sign3A_181 : i1 to i32
    %sign3A_183 = arith.constant 0 : i32
    %sign3A_184 = arith.cmpi slt, %sub3A_161, %sign3A_183 : i32
    %sign3A_185 = arith.extui %sign3A_184 : i1 to i32
    %sign3A_186 = arith.subi %sign3A_182, %sign3A_185 : i32
    %sign3A_187 = arith.constant 0 : i32
    %sign3A_188 = arith.cmpi sgt, %jit3A_178, %sign3A_187 : i32
    %sign3A_189 = arith.extui %sign3A_188 : i1 to i32
    %sign3A_190 = arith.constant 0 : i32
    %sign3A_191 = arith.cmpi slt, %jit3A_178, %sign3A_190 : i32
    %sign3A_192 = arith.extui %sign3A_191 : i1 to i32
    %sign3A_193 = arith.subi %sign3A_189, %sign3A_192 : i32
    %ne3A_194 = arith.cmpi ne, %sign3A_186, %sign3A_193 : i32
    %rem3A_195 = arith.remsi %sub3A_161, %jit3A_178 : i32
    %ne3A_196 = arith.constant 0 : i32
    %ne3A_197 = arith.cmpi ne, %rem3A_195, %ne3A_196 : i32
    %and3A_198 = arith.andi %ne3A_194, %ne3A_197 : i1
    %sub3A_199 = arith.constant 1 : i32
    %sub3A_200 = arith.subi %div3A_179, %sub3A_199 : i32
    %select_n3A_201 = arith.select %and3A_198, %sub3A_200, %div3A_179 : i32
    %mul3A_202 = arith.constant 8 : i32
    %mul3A_203 = arith.muli %mul3A_202, %select_n3A_201 : i32
    %dma_start3A_204 = arith.constant 2 : i32
    %dma_start3A_205 = arith.constant 0 : i32
    %dma_start3A_206 = arith.constant 0 : i32
    %dma_start3A_207 = tpu.memref_slice %arg4[%dma_start3A_204, %dma_start3A_205, %dma_start3A_206] : memref<16x63x32xf32, #tpu.memory_space<vmem>> -> memref<1x63x32xf32, #tpu.memory_space<vmem>>
    %dma_start3A_208 = tpu.memref_squeeze %dma_start3A_207 : memref<1x63x32xf32, #tpu.memory_space<vmem>> -> memref<63x32xf32, #tpu.memory_space<vmem>>
    %dma_start3A_209 = arith.constant 0 : i32
    %dma_start3A_210 = tpu.memref_slice %arg2[%select_n3A_177, %select_n3A, %dma_start3A_209, %mul3A_203] : memref<8x16x63x64xf32, #tpu.memory_space<hbm>> -> memref<1x1x63x32xf32, #tpu.memory_space<hbm>>
    %dma_start3A_211 = tpu.memref_squeeze %dma_start3A_210 : memref<1x1x63x32xf32, #tpu.memory_space<hbm>> -> memref<63x32xf32, #tpu.memory_space<hbm>>
    %dma_start3A_212 = arith.constant 0 : i32
    %dma_start3A_213 = arith.constant 0 : i32
    %dma_start3A_214 = tpu.memref_slice %arg4[%dma_start3A_204, %dma_start3A_212, %dma_start3A_213] : memref<16x63x32xf32, #tpu.memory_space<vmem>> -> memref<1x63x32xf32, #tpu.memory_space<vmem>>
    %dma_start3A_215 = tpu.memref_squeeze %dma_start3A_214 : memref<1x63x32xf32, #tpu.memory_space<vmem>> -> memref<63x32xf32, #tpu.memory_space<vmem>>
    %dma_start3A_216 = arith.constant 0 : i32
    %dma_start3A_217 = tpu.memref_slice %arg2[%select_n3A_177, %select_n3A, %dma_start3A_216, %mul3A_203] : memref<8x16x63x64xf32, #tpu.memory_space<hbm>> -> memref<1x1x63x32xf32, #tpu.memory_space<hbm>>
    %dma_start3A_218 = tpu.memref_squeeze %dma_start3A_217 : memref<1x1x63x32xf32, #tpu.memory_space<hbm>> -> memref<63x32xf32, #tpu.memory_space<hbm>>
    tpu.enqueue_dma source(%dma_start3A_218 : memref<63x32xf32, #tpu.memory_space<hbm>>) target(%dma_start3A_215 : memref<63x32xf32, #tpu.memory_space<vmem>>) target_semaphore(%arg5 : memref<!tpu.dma_semaphore, #tpu.memory_space<semaphore_mem>>)
    %mul3A_219 = arith.constant 16 : i32
    %mul3A_220 = arith.muli %select_n3A_30, %mul3A_219 : i32
    %add3A_221 = arith.constant 3 : i32
    %add3A_222 = arith.addi %mul3A_220, %add3A_221 : i32
    %sub3A_223 = arith.constant 31 : i32
    %sub3A_224 = arith.subi %sub3A_223, %add3A_222 : i32
    %jit3A_225 = arith.constant 8 : i32
    %eq3A_226 = arith.constant 0 : i32
    %eq3A_227 = arith.cmpi eq, %jit3A_225, %eq3A_226 : i32
    %jit3A_228 = arith.constant 1 : i32
    %select_n3A_229 = arith.select %eq3A_227, %jit3A_228, %jit3A_225 : i32
    %rem3A_230 = arith.remsi %sub3A_224, %select_n3A_229 : i32
    %ne3A_231 = arith.constant 0 : i32
    %ne3A_232 = arith.cmpi ne, %rem3A_230, %ne3A_231 : i32
    %lt3A_233 = arith.constant 0 : i32
    %lt3A_234 = arith.cmpi slt, %rem3A_230, %lt3A_233 : i32
    %lt3A_235 = arith.constant 0 : i32
    %lt3A_236 = arith.cmpi slt, %select_n3A_229, %lt3A_235 : i32
    %ne3A_237 = arith.xori %lt3A_234, %lt3A_236 : i1
    %and3A_238 = arith.andi %ne3A_237, %ne3A_232 : i1
    %add3A_239 = arith.addi %rem3A_230, %select_n3A_229 : i32
    %select_n3A_240 = arith.select %and3A_238, %add3A_239, %rem3A_230 : i32
    %jit3A_241 = arith.constant 8 : i32
    %div3A_242 = arith.divsi %sub3A_224, %jit3A_241 : i32
    %sign3A_243 = arith.constant 0 : i32
    %sign3A_244 = arith.cmpi sgt, %sub3A_224, %sign3A_243 : i32
    %sign3A_245 = arith.extui %sign3A_244 : i1 to i32
    %sign3A_246 = arith.constant 0 : i32
    %sign3A_247 = arith.cmpi slt, %sub3A_224, %sign3A_246 : i32
    %sign3A_248 = arith.extui %sign3A_247 : i1 to i32
    %sign3A_249 = arith.subi %sign3A_245, %sign3A_248 : i32
    %sign3A_250 = arith.constant 0 : i32
    %sign3A_251 = arith.cmpi sgt, %jit3A_241, %sign3A_250 : i32
    %sign3A_252 = arith.extui %sign3A_251 : i1 to i32
    %sign3A_253 = arith.constant 0 : i32
    %sign3A_254 = arith.cmpi slt, %jit3A_241, %sign3A_253 : i32
    %sign3A_255 = arith.extui %sign3A_254 : i1 to i32
    %sign3A_256 = arith.subi %sign3A_252, %sign3A_255 : i32
    %ne3A_257 = arith.cmpi ne, %sign3A_249, %sign3A_256 : i32
    %rem3A_258 = arith.remsi %sub3A_224, %jit3A_241 : i32
    %ne3A_259 = arith.constant 0 : i32
    %ne3A_260 = arith.cmpi ne, %rem3A_258, %ne3A_259 : i32
    %and3A_261 = arith.andi %ne3A_257, %ne3A_260 : i1
    %sub3A_262 = arith.constant 1 : i32
    %sub3A_263 = arith.subi %div3A_242, %sub3A_262 : i32
    %select_n3A_264 = arith.select %and3A_261, %sub3A_263, %div3A_242 : i32
    %mul3A_265 = arith.constant 8 : i32
    %mul3A_266 = arith.muli %mul3A_265, %select_n3A_264 : i32
    %dma_start3A_267 = arith.constant 3 : i32
    %dma_start3A_268 = arith.constant 0 : i32
    %dma_start3A_269 = arith.constant 0 : i32
    %dma_start3A_270 = tpu.memref_slice %arg4[%dma_start3A_267, %dma_start3A_268, %dma_start3A_269] : memref<16x63x32xf32, #tpu.memory_space<vmem>> -> memref<1x63x32xf32, #tpu.memory_space<vmem>>
    %dma_start3A_271 = tpu.memref_squeeze %dma_start3A_270 : memref<1x63x32xf32, #tpu.memory_space<vmem>> -> memref<63x32xf32, #tpu.memory_space<vmem>>
    %dma_start3A_272 = arith.constant 0 : i32
    %dma_start3A_273 = tpu.memref_slice %arg2[%select_n3A_240, %select_n3A, %dma_start3A_272, %mul3A_266] : memref<8x16x63x64xf32, #tpu.memory_space<hbm>> -> memref<1x1x63x32xf32, #tpu.memory_space<hbm>>
    %dma_start3A_274 = tpu.memref_squeeze %dma_start3A_273 : memref<1x1x63x32xf32, #tpu.memory_space<hbm>> -> memref<63x32xf32, #tpu.memory_space<hbm>>
    %dma_start3A_275 = arith.constant 0 : i32
    %dma_start3A_276 = arith.constant 0 : i32
    %dma_start3A_277 = tpu.memref_slice %arg4[%dma_start3A_267, %dma_start3A_275, %dma_start3A_276] : memref<16x63x32xf32, #tpu.memory_space<vmem>> -> memref<1x63x32xf32, #tpu.memory_space<vmem>>
    %dma_start3A_278 = tpu.memref_squeeze %dma_start3A_277 : memref<1x63x32xf32, #tpu.memory_space<vmem>> -> memref<63x32xf32, #tpu.memory_space<vmem>>
    %dma_start3A_279 = arith.constant 0 : i32
    %dma_start3A_280 = tpu.memref_slice %arg2[%select_n3A_240, %select_n3A, %dma_start3A_279, %mul3A_266] : memref<8x16x63x64xf32, #tpu.memory_space<hbm>> -> memref<1x1x63x32xf32, #tpu.memory_space<hbm>>
    %dma_start3A_281 = tpu.memref_squeeze %dma_start3A_280 : memref<1x1x63x32xf32, #tpu.memory_space<hbm>> -> memref<63x32xf32, #tpu.memory_space<hbm>>
    tpu.enqueue_dma source(%dma_start3A_281 : memref<63x32xf32, #tpu.memory_space<hbm>>) target(%dma_start3A_278 : memref<63x32xf32, #tpu.memory_space<vmem>>) target_semaphore(%arg5 : memref<!tpu.dma_semaphore, #tpu.memory_space<semaphore_mem>>)
    %mul3A_282 = arith.constant 16 : i32
    %mul3A_283 = arith.muli %select_n3A_30, %mul3A_282 : i32
    %add3A_284 = arith.constant 4 : i32
    %add3A_285 = arith.addi %mul3A_283, %add3A_284 : i32
    %sub3A_286 = arith.constant 31 : i32
    %sub3A_287 = arith.subi %sub3A_286, %add3A_285 : i32
    %jit3A_288 = arith.constant 8 : i32
    %eq3A_289 = arith.constant 0 : i32
    %eq3A_290 = arith.cmpi eq, %jit3A_288, %eq3A_289 : i32
    %jit3A_291 = arith.constant 1 : i32
    %select_n3A_292 = arith.select %eq3A_290, %jit3A_291, %jit3A_288 : i32
    %rem3A_293 = arith.remsi %sub3A_287, %select_n3A_292 : i32
    %ne3A_294 = arith.constant 0 : i32
    %ne3A_295 = arith.cmpi ne, %rem3A_293, %ne3A_294 : i32
    %lt3A_296 = arith.constant 0 : i32
    %lt3A_297 = arith.cmpi slt, %rem3A_293, %lt3A_296 : i32
    %lt3A_298 = arith.constant 0 : i32
    %lt3A_299 = arith.cmpi slt, %select_n3A_292, %lt3A_298 : i32
    %ne3A_300 = arith.xori %lt3A_297, %lt3A_299 : i1
    %and3A_301 = arith.andi %ne3A_300, %ne3A_295 : i1
    %add3A_302 = arith.addi %rem3A_293, %select_n3A_292 : i32
    %select_n3A_303 = arith.select %and3A_301, %add3A_302, %rem3A_293 : i32
    %jit3A_304 = arith.constant 8 : i32
    %div3A_305 = arith.divsi %sub3A_287, %jit3A_304 : i32
    %sign3A_306 = arith.constant 0 : i32
    %sign3A_307 = arith.cmpi sgt, %sub3A_287, %sign3A_306 : i32
    %sign3A_308 = arith.extui %sign3A_307 : i1 to i32
    %sign3A_309 = arith.constant 0 : i32
    %sign3A_310 = arith.cmpi slt, %sub3A_287, %sign3A_309 : i32
    %sign3A_311 = arith.extui %sign3A_310 : i1 to i32
    %sign3A_312 = arith.subi %sign3A_308, %sign3A_311 : i32
    %sign3A_313 = arith.constant 0 : i32
    %sign3A_314 = arith.cmpi sgt, %jit3A_304, %sign3A_313 : i32
    %sign3A_315 = arith.extui %sign3A_314 : i1 to i32
    %sign3A_316 = arith.constant 0 : i32
    %sign3A_317 = arith.cmpi slt, %jit3A_304, %sign3A_316 : i32
    %sign3A_318 = arith.extui %sign3A_317 : i1 to i32
    %sign3A_319 = arith.subi %sign3A_315, %sign3A_318 : i32
    %ne3A_320 = arith.cmpi ne, %sign3A_312, %sign3A_319 : i32
    %rem3A_321 = arith.remsi %sub3A_287, %jit3A_304 : i32
    %ne3A_322 = arith.constant 0 : i32
    %ne3A_323 = arith.cmpi ne, %rem3A_321, %ne3A_322 : i32
    %and3A_324 = arith.andi %ne3A_320, %ne3A_323 : i1
    %sub3A_325 = arith.constant 1 : i32
    %sub3A_326 = arith.subi %div3A_305, %sub3A_325 : i32
    %select_n3A_327 = arith.select %and3A_324, %sub3A_326, %div3A_305 : i32
    %mul3A_328 = arith.constant 8 : i32
    %mul3A_329 = arith.muli %mul3A_328, %select_n3A_327 : i32
    %dma_start3A_330 = arith.constant 4 : i32
    %dma_start3A_331 = arith.constant 0 : i32
    %dma_start3A_332 = arith.constant 0 : i32
    %dma_start3A_333 = tpu.memref_slice %arg4[%dma_start3A_330, %dma_start3A_331, %dma_start3A_332] : memref<16x63x32xf32, #tpu.memory_space<vmem>> -> memref<1x63x32xf32, #tpu.memory_space<vmem>>
    %dma_start3A_334 = tpu.memref_squeeze %dma_start3A_333 : memref<1x63x32xf32, #tpu.memory_space<vmem>> -> memref<63x32xf32, #tpu.memory_space<vmem>>
    %dma_start3A_335 = arith.constant 0 : i32
    %dma_start3A_336 = tpu.memref_slice %arg2[%select_n3A_303, %select_n3A, %dma_start3A_335, %mul3A_329] : memref<8x16x63x64xf32, #tpu.memory_space<hbm>> -> memref<1x1x63x32xf32, #tpu.memory_space<hbm>>
    %dma_start3A_337 = tpu.memref_squeeze %dma_start3A_336 : memref<1x1x63x32xf32, #tpu.memory_space<hbm>> -> memref<63x32xf32, #tpu.memory_space<hbm>>
    %dma_start3A_338 = arith.constant 0 : i32
    %dma_start3A_339 = arith.constant 0 : i32
    %dma_start3A_340 = tpu.memref_slice %arg4[%dma_start3A_330, %dma_start3A_338, %dma_start3A_339] : memref<16x63x32xf32, #tpu.memory_space<vmem>> -> memref<1x63x32xf32, #tpu.memory_space<vmem>>
    %dma_start3A_341 = tpu.memref_squeeze %dma_start3A_340 : memref<1x63x32xf32, #tpu.memory_space<vmem>> -> memref<63x32xf32, #tpu.memory_space<vmem>>
    %dma_start3A_342 = arith.constant 0 : i32
    %dma_start3A_343 = tpu.memref_slice %arg2[%select_n3A_303, %select_n3A, %dma_start3A_342, %mul3A_329] : memref<8x16x63x64xf32, #tpu.memory_space<hbm>> -> memref<1x1x63x32xf32, #tpu.memory_space<hbm>>
    %dma_start3A_344 = tpu.memref_squeeze %dma_start3A_343 : memref<1x1x63x32xf32, #tpu.memory_space<hbm>> -> memref<63x32xf32, #tpu.memory_space<hbm>>
    tpu.enqueue_dma source(%dma_start3A_344 : memref<63x32xf32, #tpu.memory_space<hbm>>) target(%dma_start3A_341 : memref<63x32xf32, #tpu.memory_space<vmem>>) target_semaphore(%arg5 : memref<!tpu.dma_semaphore, #tpu.memory_space<semaphore_mem>>)
    %mul3A_345 = arith.constant 16 : i32
    %mul3A_346 = arith.muli %select_n3A_30, %mul3A_345 : i32
    %add3A_347 = arith.constant 5 : i32
    %add3A_348 = arith.addi %mul3A_346, %add3A_347 : i32
    %sub3A_349 = arith.constant 31 : i32
    %sub3A_350 = arith.subi %sub3A_349, %add3A_348 : i32
    %jit3A_351 = arith.constant 8 : i32
    %eq3A_352 = arith.constant 0 : i32
    %eq3A_353 = arith.cmpi eq, %jit3A_351, %eq3A_352 : i32
    %jit3A_354 = arith.constant 1 : i32
    %select_n3A_355 = arith.select %eq3A_353, %jit3A_354, %jit3A_351 : i32
    %rem3A_356 = arith.remsi %sub3A_350, %select_n3A_355 : i32
    %ne3A_357 = arith.constant 0 : i32
    %ne3A_358 = arith.cmpi ne, %rem3A_356, %ne3A_357 : i32
    %lt3A_359 = arith.constant 0 : i32
    %lt3A_360 = arith.cmpi slt, %rem3A_356, %lt3A_359 : i32
    %lt3A_361 = arith.constant 0 : i32
    %lt3A_362 = arith.cmpi slt, %select_n3A_355, %lt3A_361 : i32
    %ne3A_363 = arith.xori %lt3A_360, %lt3A_362 : i1
    %and3A_364 = arith.andi %ne3A_363, %ne3A_358 : i1
    %add3A_365 = arith.addi %rem3A_356, %select_n3A_355 : i32
    %select_n3A_366 = arith.select %and3A_364, %add3A_365, %rem3A_356 : i32
    %jit3A_367 = arith.constant 8 : i32
    %div3A_368 = arith.divsi %sub3A_350, %jit3A_367 : i32
    %sign3A_369 = arith.constant 0 : i32
    %sign3A_370 = arith.cmpi sgt, %sub3A_350, %sign3A_369 : i32
    %sign3A_371 = arith.extui %sign3A_370 : i1 to i32
    %sign3A_372 = arith.constant 0 : i32
    %sign3A_373 = arith.cmpi slt, %sub3A_350, %sign3A_372 : i32
    %sign3A_374 = arith.extui %sign3A_373 : i1 to i32
    %sign3A_375 = arith.subi %sign3A_371, %sign3A_374 : i32
    %sign3A_376 = arith.constant 0 : i32
    %sign3A_377 = arith.cmpi sgt, %jit3A_367, %sign3A_376 : i32
    %sign3A_378 = arith.extui %sign3A_377 : i1 to i32
    %sign3A_379 = arith.constant 0 : i32
    %sign3A_380 = arith.cmpi slt, %jit3A_367, %sign3A_379 : i32
    %sign3A_381 = arith.extui %sign3A_380 : i1 to i32
    %sign3A_382 = arith.subi %sign3A_378, %sign3A_381 : i32
    %ne3A_383 = arith.cmpi ne, %sign3A_375, %sign3A_382 : i32
    %rem3A_384 = arith.remsi %sub3A_350, %jit3A_367 : i32
    %ne3A_385 = arith.constant 0 : i32
    %ne3A_386 = arith.cmpi ne, %rem3A_384, %ne3A_385 : i32
    %and3A_387 = arith.andi %ne3A_383, %ne3A_386 : i1
    %sub3A_388 = arith.constant 1 : i32
    %sub3A_389 = arith.subi %div3A_368, %sub3A_388 : i32
    %select_n3A_390 = arith.select %and3A_387, %sub3A_389, %div3A_368 : i32
    %mul3A_391 = arith.constant 8 : i32
    %mul3A_392 = arith.muli %mul3A_391, %select_n3A_390 : i32
    %dma_start3A_393 = arith.constant 5 : i32
    %dma_start3A_394 = arith.constant 0 : i32
    %dma_start3A_395 = arith.constant 0 : i32
    %dma_start3A_396 = tpu.memref_slice %arg4[%dma_start3A_393, %dma_start3A_394, %dma_start3A_395] : memref<16x63x32xf32, #tpu.memory_space<vmem>> -> memref<1x63x32xf32, #tpu.memory_space<vmem>>
    %dma_start3A_397 = tpu.memref_squeeze %dma_start3A_396 : memref<1x63x32xf32, #tpu.memory_space<vmem>> -> memref<63x32xf32, #tpu.memory_space<vmem>>
    %dma_start3A_398 = arith.constant 0 : i32
    %dma_start3A_399 = tpu.memref_slice %arg2[%select_n3A_366, %select_n3A, %dma_start3A_398, %mul3A_392] : memref<8x16x63x64xf32, #tpu.memory_space<hbm>> -> memref<1x1x63x32xf32, #tpu.memory_space<hbm>>
    %dma_start3A_400 = tpu.memref_squeeze %dma_start3A_399 : memref<1x1x63x32xf32, #tpu.memory_space<hbm>> -> memref<63x32xf32, #tpu.memory_space<hbm>>
    %dma_start3A_401 = arith.constant 0 : i32
    %dma_start3A_402 = arith.constant 0 : i32
    %dma_start3A_403 = tpu.memref_slice %arg4[%dma_start3A_393, %dma_start3A_401, %dma_start3A_402] : memref<16x63x32xf32, #tpu.memory_space<vmem>> -> memref<1x63x32xf32, #tpu.memory_space<vmem>>
    %dma_start3A_404 = tpu.memref_squeeze %dma_start3A_403 : memref<1x63x32xf32, #tpu.memory_space<vmem>> -> memref<63x32xf32, #tpu.memory_space<vmem>>
    %dma_start3A_405 = arith.constant 0 : i32
    %dma_start3A_406 = tpu.memref_slice %arg2[%select_n3A_366, %select_n3A, %dma_start3A_405, %mul3A_392] : memref<8x16x63x64xf32, #tpu.memory_space<hbm>> -> memref<1x1x63x32xf32, #tpu.memory_space<hbm>>
    %dma_start3A_407 = tpu.memref_squeeze %dma_start3A_406 : memref<1x1x63x32xf32, #tpu.memory_space<hbm>> -> memref<63x32xf32, #tpu.memory_space<hbm>>
    tpu.enqueue_dma source(%dma_start3A_407 : memref<63x32xf32, #tpu.memory_space<hbm>>) target(%dma_start3A_404 : memref<63x32xf32, #tpu.memory_space<vmem>>) target_semaphore(%arg5 : memref<!tpu.dma_semaphore, #tpu.memory_space<semaphore_mem>>)
    %mul3A_408 = arith.constant 16 : i32
    %mul3A_409 = arith.muli %select_n3A_30, %mul3A_408 : i32
    %add3A_410 = arith.constant 6 : i32
    %add3A_411 = arith.addi %mul3A_409, %add3A_410 : i32
    %sub3A_412 = arith.constant 31 : i32
    %sub3A_413 = arith.subi %sub3A_412, %add3A_411 : i32
    %jit3A_414 = arith.constant 8 : i32
    %eq3A_415 = arith.constant 0 : i32
    %eq3A_416 = arith.cmpi eq, %jit3A_414, %eq3A_415 : i32
    %jit3A_417 = arith.constant 1 : i32
    %select_n3A_418 = arith.select %eq3A_416, %jit3A_417, %jit3A_414 : i32
    %rem3A_419 = arith.remsi %sub3A_413, %select_n3A_418 : i32
    %ne3A_420 = arith.constant 0 : i32
    %ne3A_421 = arith.cmpi ne, %rem3A_419, %ne3A_420 : i32
    %lt3A_422 = arith.constant 0 : i32
    %lt3A_423 = arith.cmpi slt, %rem3A_419, %lt3A_422 : i32
    %lt3A_424 = arith.constant 0 : i32
    %lt3A_425 = arith.cmpi slt, %select_n3A_418, %lt3A_424 : i32
    %ne3A_426 = arith.xori %lt3A_423, %lt3A_425 : i1
    %and3A_427 = arith.andi %ne3A_426, %ne3A_421 : i1
    %add3A_428 = arith.addi %rem3A_419, %select_n3A_418 : i32
    %select_n3A_429 = arith.select %and3A_427, %add3A_428, %rem3A_419 : i32
    %jit3A_430 = arith.constant 8 : i32
    %div3A_431 = arith.divsi %sub3A_413, %jit3A_430 : i32
    %sign3A_432 = arith.constant 0 : i32
    %sign3A_433 = arith.cmpi sgt, %sub3A_413, %sign3A_432 : i32
    %sign3A_434 = arith.extui %sign3A_433 : i1 to i32
    %sign3A_435 = arith.constant 0 : i32
    %sign3A_436 = arith.cmpi slt, %sub3A_413, %sign3A_435 : i32
    %sign3A_437 = arith.extui %sign3A_436 : i1 to i32
    %sign3A_438 = arith.subi %sign3A_434, %sign3A_437 : i32
    %sign3A_439 = arith.constant 0 : i32
    %sign3A_440 = arith.cmpi sgt, %jit3A_430, %sign3A_439 : i32
    %sign3A_441 = arith.extui %sign3A_440 : i1 to i32
    %sign3A_442 = arith.constant 0 : i32
    %sign3A_443 = arith.cmpi slt, %jit3A_430, %sign3A_442 : i32
    %sign3A_444 = arith.extui %sign3A_443 : i1 to i32
    %sign3A_445 = arith.subi %sign3A_441, %sign3A_444 : i32
    %ne3A_446 = arith.cmpi ne, %sign3A_438, %sign3A_445 : i32
    %rem3A_447 = arith.remsi %sub3A_413, %jit3A_430 : i32
    %ne3A_448 = arith.constant 0 : i32
    %ne3A_449 = arith.cmpi ne, %rem3A_447, %ne3A_448 : i32
    %and3A_450 = arith.andi %ne3A_446, %ne3A_449 : i1
    %sub3A_451 = arith.constant 1 : i32
    %sub3A_452 = arith.subi %div3A_431, %sub3A_451 : i32
    %select_n3A_453 = arith.select %and3A_450, %sub3A_452, %div3A_431 : i32
    %mul3A_454 = arith.constant 8 : i32
    %mul3A_455 = arith.muli %mul3A_454, %select_n3A_453 : i32
    %dma_start3A_456 = arith.constant 6 : i32
    %dma_start3A_457 = arith.constant 0 : i32
    %dma_start3A_458 = arith.constant 0 : i32
    %dma_start3A_459 = tpu.memref_slice %arg4[%dma_start3A_456, %dma_start3A_457, %dma_start3A_458] : memref<16x63x32xf32, #tpu.memory_space<vmem>> -> memref<1x63x32xf32, #tpu.memory_space<vmem>>
    %dma_start3A_460 = tpu.memref_squeeze %dma_start3A_459 : memref<1x63x32xf32, #tpu.memory_space<vmem>> -> memref<63x32xf32, #tpu.memory_space<vmem>>
    %dma_start3A_461 = arith.constant 0 : i32
    %dma_start3A_462 = tpu.memref_slice %arg2[%select_n3A_429, %select_n3A, %dma_start3A_461, %mul3A_455] : memref<8x16x63x64xf32, #tpu.memory_space<hbm>> -> memref<1x1x63x32xf32, #tpu.memory_space<hbm>>
    %dma_start3A_463 = tpu.memref_squeeze %dma_start3A_462 : memref<1x1x63x32xf32, #tpu.memory_space<hbm>> -> memref<63x32xf32, #tpu.memory_space<hbm>>
    %dma_start3A_464 = arith.constant 0 : i32
    %dma_start3A_465 = arith.constant 0 : i32
    %dma_start3A_466 = tpu.memref_slice %arg4[%dma_start3A_456, %dma_start3A_464, %dma_start3A_465] : memref<16x63x32xf32, #tpu.memory_space<vmem>> -> memref<1x63x32xf32, #tpu.memory_space<vmem>>
    %dma_start3A_467 = tpu.memref_squeeze %dma_start3A_466 : memref<1x63x32xf32, #tpu.memory_space<vmem>> -> memref<63x32xf32, #tpu.memory_space<vmem>>
    %dma_start3A_468 = arith.constant 0 : i32
    %dma_start3A_469 = tpu.memref_slice %arg2[%select_n3A_429, %select_n3A, %dma_start3A_468, %mul3A_455] : memref<8x16x63x64xf32, #tpu.memory_space<hbm>> -> memref<1x1x63x32xf32, #tpu.memory_space<hbm>>
    %dma_start3A_470 = tpu.memref_squeeze %dma_start3A_469 : memref<1x1x63x32xf32, #tpu.memory_space<hbm>> -> memref<63x32xf32, #tpu.memory_space<hbm>>
    tpu.enqueue_dma source(%dma_start3A_470 : memref<63x32xf32, #tpu.memory_space<hbm>>) target(%dma_start3A_467 : memref<63x32xf32, #tpu.memory_space<vmem>>) target_semaphore(%arg5 : memref<!tpu.dma_semaphore, #tpu.memory_space<semaphore_mem>>)
    %mul3A_471 = arith.constant 16 : i32
    %mul3A_472 = arith.muli %select_n3A_30, %mul3A_471 : i32
    %add3A_473 = arith.constant 7 : i32
    %add3A_474 = arith.addi %mul3A_472, %add3A_473 : i32
    %sub3A_475 = arith.constant 31 : i32
    %sub3A_476 = arith.subi %sub3A_475, %add3A_474 : i32
    %jit3A_477 = arith.constant 8 : i32
    %eq3A_478 = arith.constant 0 : i32
    %eq3A_479 = arith.cmpi eq, %jit3A_477, %eq3A_478 : i32
    %jit3A_480 = arith.constant 1 : i32
    %select_n3A_481 = arith.select %eq3A_479, %jit3A_480, %jit3A_477 : i32
    %rem3A_482 = arith.remsi %sub3A_476, %select_n3A_481 : i32
    %ne3A_483 = arith.constant 0 : i32
    %ne3A_484 = arith.cmpi ne, %rem3A_482, %ne3A_483 : i32
    %lt3A_485 = arith.constant 0 : i32
    %lt3A_486 = arith.cmpi slt, %rem3A_482, %lt3A_485 : i32
    %lt3A_487 = arith.constant 0 : i32
    %lt3A_488 = arith.cmpi slt, %select_n3A_481, %lt3A_487 : i32
    %ne3A_489 = arith.xori %lt3A_486, %lt3A_488 : i1
    %and3A_490 = arith.andi %ne3A_489, %ne3A_484 : i1
    %add3A_491 = arith.addi %rem3A_482, %select_n3A_481 : i32
    %select_n3A_492 = arith.select %and3A_490, %add3A_491, %rem3A_482 : i32
    %jit3A_493 = arith.constant 8 : i32
    %div3A_494 = arith.divsi %sub3A_476, %jit3A_493 : i32
    %sign3A_495 = arith.constant 0 : i32
    %sign3A_496 = arith.cmpi sgt, %sub3A_476, %sign3A_495 : i32
    %sign3A_497 = arith.extui %sign3A_496 : i1 to i32
    %sign3A_498 = arith.constant 0 : i32
    %sign3A_499 = arith.cmpi slt, %sub3A_476, %sign3A_498 : i32
    %sign3A_500 = arith.extui %sign3A_499 : i1 to i32
    %sign3A_501 = arith.subi %sign3A_497, %sign3A_500 : i32
    %sign3A_502 = arith.constant 0 : i32
    %sign3A_503 = arith.cmpi sgt, %jit3A_493, %sign3A_502 : i32
    %sign3A_504 = arith.extui %sign3A_503 : i1 to i32
    %sign3A_505 = arith.constant 0 : i32
    %sign3A_506 = arith.cmpi slt, %jit3A_493, %sign3A_505 : i32
    %sign3A_507 = arith.extui %sign3A_506 : i1 to i32
    %sign3A_508 = arith.subi %sign3A_504, %sign3A_507 : i32
    %ne3A_509 = arith.cmpi ne, %sign3A_501, %sign3A_508 : i32
    %rem3A_510 = arith.remsi %sub3A_476, %jit3A_493 : i32
    %ne3A_511 = arith.constant 0 : i32
    %ne3A_512 = arith.cmpi ne, %rem3A_510, %ne3A_511 : i32
    %and3A_513 = arith.andi %ne3A_509, %ne3A_512 : i1
    %sub3A_514 = arith.constant 1 : i32
    %sub3A_515 = arith.subi %div3A_494, %sub3A_514 : i32
    %select_n3A_516 = arith.select %and3A_513, %sub3A_515, %div3A_494 : i32
    %mul3A_517 = arith.constant 8 : i32
    %mul3A_518 = arith.muli %mul3A_517, %select_n3A_516 : i32
    %dma_start3A_519 = arith.constant 7 : i32
    %dma_start3A_520 = arith.constant 0 : i32
    %dma_start3A_521 = arith.constant 0 : i32
    %dma_start3A_522 = tpu.memref_slice %arg4[%dma_start3A_519, %dma_start3A_520, %dma_start3A_521] : memref<16x63x32xf32, #tpu.memory_space<vmem>> -> memref<1x63x32xf32, #tpu.memory_space<vmem>>
    %dma_start3A_523 = tpu.memref_squeeze %dma_start3A_522 : memref<1x63x32xf32, #tpu.memory_space<vmem>> -> memref<63x32xf32, #tpu.memory_space<vmem>>
    %dma_start3A_524 = arith.constant 0 : i32
    %dma_start3A_525 = tpu.memref_slice %arg2[%select_n3A_492, %select_n3A, %dma_start3A_524, %mul3A_518] : memref<8x16x63x64xf32, #tpu.memory_space<hbm>> -> memref<1x1x63x32xf32, #tpu.memory_space<hbm>>
    %dma_start3A_526 = tpu.memref_squeeze %dma_start3A_525 : memref<1x1x63x32xf32, #tpu.memory_space<hbm>> -> memref<63x32xf32, #tpu.memory_space<hbm>>
    %dma_start3A_527 = arith.constant 0 : i32
    %dma_start3A_528 = arith.constant 0 : i32
    %dma_start3A_529 = tpu.memref_slice %arg4[%dma_start3A_519, %dma_start3A_527, %dma_start3A_528] : memref<16x63x32xf32, #tpu.memory_space<vmem>> -> memref<1x63x32xf32, #tpu.memory_space<vmem>>
    %dma_start3A_530 = tpu.memref_squeeze %dma_start3A_529 : memref<1x63x32xf32, #tpu.memory_space<vmem>> -> memref<63x32xf32, #tpu.memory_space<vmem>>
    %dma_start3A_531 = arith.constant 0 : i32
    %dma_start3A_532 = tpu.memref_slice %arg2[%select_n3A_492, %select_n3A, %dma_start3A_531, %mul3A_518] : memref<8x16x63x64xf32, #tpu.memory_space<hbm>> -> memref<1x1x63x32xf32, #tpu.memory_space<hbm>>
    %dma_start3A_533 = tpu.memref_squeeze %dma_start3A_532 : memref<1x1x63x32xf32, #tpu.memory_space<hbm>> -> memref<63x32xf32, #tpu.memory_space<hbm>>
    tpu.enqueue_dma source(%dma_start3A_533 : memref<63x32xf32, #tpu.memory_space<hbm>>) target(%dma_start3A_530 : memref<63x32xf32, #tpu.memory_space<vmem>>) target_semaphore(%arg5 : memref<!tpu.dma_semaphore, #tpu.memory_space<semaphore_mem>>)
    %mul3A_534 = arith.constant 16 : i32
    %mul3A_535 = arith.muli %select_n3A_30, %mul3A_534 : i32
    %add3A_536 = arith.constant 8 : i32
    %add3A_537 = arith.addi %mul3A_535, %add3A_536 : i32
    %sub3A_538 = arith.constant 31 : i32
    %sub3A_539 = arith.subi %sub3A_538, %add3A_537 : i32
    %jit3A_540 = arith.constant 8 : i32
    %eq3A_541 = arith.constant 0 : i32
    %eq3A_542 = arith.cmpi eq, %jit3A_540, %eq3A_541 : i32
    %jit3A_543 = arith.constant 1 : i32
    %select_n3A_544 = arith.select %eq3A_542, %jit3A_543, %jit3A_540 : i32
    %rem3A_545 = arith.remsi %sub3A_539, %select_n3A_544 : i32
    %ne3A_546 = arith.constant 0 : i32
    %ne3A_547 = arith.cmpi ne, %rem3A_545, %ne3A_546 : i32
    %lt3A_548 = arith.constant 0 : i32
    %lt3A_549 = arith.cmpi slt, %rem3A_545, %lt3A_548 : i32
    %lt3A_550 = arith.constant 0 : i32
    %lt3A_551 = arith.cmpi slt, %select_n3A_544, %lt3A_550 : i32
    %ne3A_552 = arith.xori %lt3A_549, %lt3A_551 : i1
    %and3A_553 = arith.andi %ne3A_552, %ne3A_547 : i1
    %add3A_554 = arith.addi %rem3A_545, %select_n3A_544 : i32
    %select_n3A_555 = arith.select %and3A_553, %add3A_554, %rem3A_545 : i32
    %jit3A_556 = arith.constant 8 : i32
    %div3A_557 = arith.divsi %sub3A_539, %jit3A_556 : i32
    %sign3A_558 = arith.constant 0 : i32
    %sign3A_559 = arith.cmpi sgt, %sub3A_539, %sign3A_558 : i32
    %sign3A_560 = arith.extui %sign3A_559 : i1 to i32
    %sign3A_561 = arith.constant 0 : i32
    %sign3A_562 = arith.cmpi slt, %sub3A_539, %sign3A_561 : i32
    %sign3A_563 = arith.extui %sign3A_562 : i1 to i32
    %sign3A_564 = arith.subi %sign3A_560, %sign3A_563 : i32
    %sign3A_565 = arith.constant 0 : i32
    %sign3A_566 = arith.cmpi sgt, %jit3A_556, %sign3A_565 : i32
    %sign3A_567 = arith.extui %sign3A_566 : i1 to i32
    %sign3A_568 = arith.constant 0 : i32
    %sign3A_569 = arith.cmpi slt, %jit3A_556, %sign3A_568 : i32
    %sign3A_570 = arith.extui %sign3A_569 : i1 to i32
    %sign3A_571 = arith.subi %sign3A_567, %sign3A_570 : i32
    %ne3A_572 = arith.cmpi ne, %sign3A_564, %sign3A_571 : i32
    %rem3A_573 = arith.remsi %sub3A_539, %jit3A_556 : i32
    %ne3A_574 = arith.constant 0 : i32
    %ne3A_575 = arith.cmpi ne, %rem3A_573, %ne3A_574 : i32
    %and3A_576 = arith.andi %ne3A_572, %ne3A_575 : i1
    %sub3A_577 = arith.constant 1 : i32
    %sub3A_578 = arith.subi %div3A_557, %sub3A_577 : i32
    %select_n3A_579 = arith.select %and3A_576, %sub3A_578, %div3A_557 : i32
    %mul3A_580 = arith.constant 8 : i32
    %mul3A_581 = arith.muli %mul3A_580, %select_n3A_579 : i32
    %dma_start3A_582 = arith.constant 8 : i32
    %dma_start3A_583 = arith.constant 0 : i32
    %dma_start3A_584 = arith.constant 0 : i32
    %dma_start3A_585 = tpu.memref_slice %arg4[%dma_start3A_582, %dma_start3A_583, %dma_start3A_584] : memref<16x63x32xf32, #tpu.memory_space<vmem>> -> memref<1x63x32xf32, #tpu.memory_space<vmem>>
    %dma_start3A_586 = tpu.memref_squeeze %dma_start3A_585 : memref<1x63x32xf32, #tpu.memory_space<vmem>> -> memref<63x32xf32, #tpu.memory_space<vmem>>
    %dma_start3A_587 = arith.constant 0 : i32
    %dma_start3A_588 = tpu.memref_slice %arg2[%select_n3A_555, %select_n3A, %dma_start3A_587, %mul3A_581] : memref<8x16x63x64xf32, #tpu.memory_space<hbm>> -> memref<1x1x63x32xf32, #tpu.memory_space<hbm>>
    %dma_start3A_589 = tpu.memref_squeeze %dma_start3A_588 : memref<1x1x63x32xf32, #tpu.memory_space<hbm>> -> memref<63x32xf32, #tpu.memory_space<hbm>>
    %dma_start3A_590 = arith.constant 0 : i32
    %dma_start3A_591 = arith.constant 0 : i32
    %dma_start3A_592 = tpu.memref_slice %arg4[%dma_start3A_582, %dma_start3A_590, %dma_start3A_591] : memref<16x63x32xf32, #tpu.memory_space<vmem>> -> memref<1x63x32xf32, #tpu.memory_space<vmem>>
    %dma_start3A_593 = tpu.memref_squeeze %dma_start3A_592 : memref<1x63x32xf32, #tpu.memory_space<vmem>> -> memref<63x32xf32, #tpu.memory_space<vmem>>
    %dma_start3A_594 = arith.constant 0 : i32
    %dma_start3A_595 = tpu.memref_slice %arg2[%select_n3A_555, %select_n3A, %dma_start3A_594, %mul3A_581] : memref<8x16x63x64xf32, #tpu.memory_space<hbm>> -> memref<1x1x63x32xf32, #tpu.memory_space<hbm>>
    %dma_start3A_596 = tpu.memref_squeeze %dma_start3A_595 : memref<1x1x63x32xf32, #tpu.memory_space<hbm>> -> memref<63x32xf32, #tpu.memory_space<hbm>>
    tpu.enqueue_dma source(%dma_start3A_596 : memref<63x32xf32, #tpu.memory_space<hbm>>) target(%dma_start3A_593 : memref<63x32xf32, #tpu.memory_space<vmem>>) target_semaphore(%arg5 : memref<!tpu.dma_semaphore, #tpu.memory_space<semaphore_mem>>)
    %mul3A_597 = arith.constant 16 : i32
    %mul3A_598 = arith.muli %select_n3A_30, %mul3A_597 : i32
    %add3A_599 = arith.constant 9 : i32
    %add3A_600 = arith.addi %mul3A_598, %add3A_599 : i32
    %sub3A_601 = arith.constant 31 : i32
    %sub3A_602 = arith.subi %sub3A_601, %add3A_600 : i32
    %jit3A_603 = arith.constant 8 : i32
    %eq3A_604 = arith.constant 0 : i32
    %eq3A_605 = arith.cmpi eq, %jit3A_603, %eq3A_604 : i32
    %jit3A_606 = arith.constant 1 : i32
    %select_n3A_607 = arith.select %eq3A_605, %jit3A_606, %jit3A_603 : i32
    %rem3A_608 = arith.remsi %sub3A_602, %select_n3A_607 : i32
    %ne3A_609 = arith.constant 0 : i32
    %ne3A_610 = arith.cmpi ne, %rem3A_608, %ne3A_609 : i32
    %lt3A_611 = arith.constant 0 : i32
    %lt3A_612 = arith.cmpi slt, %rem3A_608, %lt3A_611 : i32
    %lt3A_613 = arith.constant 0 : i32
    %lt3A_614 = arith.cmpi slt, %select_n3A_607, %lt3A_613 : i32
    %ne3A_615 = arith.xori %lt3A_612, %lt3A_614 : i1
    %and3A_616 = arith.andi %ne3A_615, %ne3A_610 : i1
    %add3A_617 = arith.addi %rem3A_608, %select_n3A_607 : i32
    %select_n3A_618 = arith.select %and3A_616, %add3A_617, %rem3A_608 : i32
    %jit3A_619 = arith.constant 8 : i32
    %div3A_620 = arith.divsi %sub3A_602, %jit3A_619 : i32
    %sign3A_621 = arith.constant 0 : i32
    %sign3A_622 = arith.cmpi sgt, %sub3A_602, %sign3A_621 : i32
    %sign3A_623 = arith.extui %sign3A_622 : i1 to i32
    %sign3A_624 = arith.constant 0 : i32
    %sign3A_625 = arith.cmpi slt, %sub3A_602, %sign3A_624 : i32
    %sign3A_626 = arith.extui %sign3A_625 : i1 to i32
    %sign3A_627 = arith.subi %sign3A_623, %sign3A_626 : i32
    %sign3A_628 = arith.constant 0 : i32
    %sign3A_629 = arith.cmpi sgt, %jit3A_619, %sign3A_628 : i32
    %sign3A_630 = arith.extui %sign3A_629 : i1 to i32
    %sign3A_631 = arith.constant 0 : i32
    %sign3A_632 = arith.cmpi slt, %jit3A_619, %sign3A_631 : i32
    %sign3A_633 = arith.extui %sign3A_632 : i1 to i32
    %sign3A_634 = arith.subi %sign3A_630, %sign3A_633 : i32
    %ne3A_635 = arith.cmpi ne, %sign3A_627, %sign3A_634 : i32
    %rem3A_636 = arith.remsi %sub3A_602, %jit3A_619 : i32
    %ne3A_637 = arith.constant 0 : i32
    %ne3A_638 = arith.cmpi ne, %rem3A_636, %ne3A_637 : i32
    %and3A_639 = arith.andi %ne3A_635, %ne3A_638 : i1
    %sub3A_640 = arith.constant 1 : i32
    %sub3A_641 = arith.subi %div3A_620, %sub3A_640 : i32
    %select_n3A_642 = arith.select %and3A_639, %sub3A_641, %div3A_620 : i32
    %mul3A_643 = arith.constant 8 : i32
    %mul3A_644 = arith.muli %mul3A_643, %select_n3A_642 : i32
    %dma_start3A_645 = arith.constant 9 : i32
    %dma_start3A_646 = arith.constant 0 : i32
    %dma_start3A_647 = arith.constant 0 : i32
    %dma_start3A_648 = tpu.memref_slice %arg4[%dma_start3A_645, %dma_start3A_646, %dma_start3A_647] : memref<16x63x32xf32, #tpu.memory_space<vmem>> -> memref<1x63x32xf32, #tpu.memory_space<vmem>>
    %dma_start3A_649 = tpu.memref_squeeze %dma_start3A_648 : memref<1x63x32xf32, #tpu.memory_space<vmem>> -> memref<63x32xf32, #tpu.memory_space<vmem>>
    %dma_start3A_650 = arith.constant 0 : i32
    %dma_start3A_651 = tpu.memref_slice %arg2[%select_n3A_618, %select_n3A, %dma_start3A_650, %mul3A_644] : memref<8x16x63x64xf32, #tpu.memory_space<hbm>> -> memref<1x1x63x32xf32, #tpu.memory_space<hbm>>
    %dma_start3A_652 = tpu.memref_squeeze %dma_start3A_651 : memref<1x1x63x32xf32, #tpu.memory_space<hbm>> -> memref<63x32xf32, #tpu.memory_space<hbm>>
    %dma_start3A_653 = arith.constant 0 : i32
    %dma_start3A_654 = arith.constant 0 : i32
    %dma_start3A_655 = tpu.memref_slice %arg4[%dma_start3A_645, %dma_start3A_653, %dma_start3A_654] : memref<16x63x32xf32, #tpu.memory_space<vmem>> -> memref<1x63x32xf32, #tpu.memory_space<vmem>>
    %dma_start3A_656 = tpu.memref_squeeze %dma_start3A_655 : memref<1x63x32xf32, #tpu.memory_space<vmem>> -> memref<63x32xf32, #tpu.memory_space<vmem>>
    %dma_start3A_657 = arith.constant 0 : i32
    %dma_start3A_658 = tpu.memref_slice %arg2[%select_n3A_618, %select_n3A, %dma_start3A_657, %mul3A_644] : memref<8x16x63x64xf32, #tpu.memory_space<hbm>> -> memref<1x1x63x32xf32, #tpu.memory_space<hbm>>
    %dma_start3A_659 = tpu.memref_squeeze %dma_start3A_658 : memref<1x1x63x32xf32, #tpu.memory_space<hbm>> -> memref<63x32xf32, #tpu.memory_space<hbm>>
    tpu.enqueue_dma source(%dma_start3A_659 : memref<63x32xf32, #tpu.memory_space<hbm>>) target(%dma_start3A_656 : memref<63x32xf32, #tpu.memory_space<vmem>>) target_semaphore(%arg5 : memref<!tpu.dma_semaphore, #tpu.memory_space<semaphore_mem>>)
    %mul3A_660 = arith.constant 16 : i32
    %mul3A_661 = arith.muli %select_n3A_30, %mul3A_660 : i32
    %add3A_662 = arith.constant 10 : i32
    %add3A_663 = arith.addi %mul3A_661, %add3A_662 : i32
    %sub3A_664 = arith.constant 31 : i32
    %sub3A_665 = arith.subi %sub3A_664, %add3A_663 : i32
    %jit3A_666 = arith.constant 8 : i32
    %eq3A_667 = arith.constant 0 : i32
    %eq3A_668 = arith.cmpi eq, %jit3A_666, %eq3A_667 : i32
    %jit3A_669 = arith.constant 1 : i32
    %select_n3A_670 = arith.select %eq3A_668, %jit3A_669, %jit3A_666 : i32
    %rem3A_671 = arith.remsi %sub3A_665, %select_n3A_670 : i32
    %ne3A_672 = arith.constant 0 : i32
    %ne3A_673 = arith.cmpi ne, %rem3A_671, %ne3A_672 : i32
    %lt3A_674 = arith.constant 0 : i32
    %lt3A_675 = arith.cmpi slt, %rem3A_671, %lt3A_674 : i32
    %lt3A_676 = arith.constant 0 : i32
    %lt3A_677 = arith.cmpi slt, %select_n3A_670, %lt3A_676 : i32
    %ne3A_678 = arith.xori %lt3A_675, %lt3A_677 : i1
    %and3A_679 = arith.andi %ne3A_678, %ne3A_673 : i1
    %add3A_680 = arith.addi %rem3A_671, %select_n3A_670 : i32
    %select_n3A_681 = arith.select %and3A_679, %add3A_680, %rem3A_671 : i32
    %jit3A_682 = arith.constant 8 : i32
    %div3A_683 = arith.divsi %sub3A_665, %jit3A_682 : i32
    %sign3A_684 = arith.constant 0 : i32
    %sign3A_685 = arith.cmpi sgt, %sub3A_665, %sign3A_684 : i32
    %sign3A_686 = arith.extui %sign3A_685 : i1 to i32
    %sign3A_687 = arith.constant 0 : i32
    %sign3A_688 = arith.cmpi slt, %sub3A_665, %sign3A_687 : i32
    %sign3A_689 = arith.extui %sign3A_688 : i1 to i32
    %sign3A_690 = arith.subi %sign3A_686, %sign3A_689 : i32
    %sign3A_691 = arith.constant 0 : i32
    %sign3A_692 = arith.cmpi sgt, %jit3A_682, %sign3A_691 : i32
    %sign3A_693 = arith.extui %sign3A_692 : i1 to i32
    %sign3A_694 = arith.constant 0 : i32
    %sign3A_695 = arith.cmpi slt, %jit3A_682, %sign3A_694 : i32
    %sign3A_696 = arith.extui %sign3A_695 : i1 to i32
    %sign3A_697 = arith.subi %sign3A_693, %sign3A_696 : i32
    %ne3A_698 = arith.cmpi ne, %sign3A_690, %sign3A_697 : i32
    %rem3A_699 = arith.remsi %sub3A_665, %jit3A_682 : i32
    %ne3A_700 = arith.constant 0 : i32
    %ne3A_701 = arith.cmpi ne, %rem3A_699, %ne3A_700 : i32
    %and3A_702 = arith.andi %ne3A_698, %ne3A_701 : i1
    %sub3A_703 = arith.constant 1 : i32
    %sub3A_704 = arith.subi %div3A_683, %sub3A_703 : i32
    %select_n3A_705 = arith.select %and3A_702, %sub3A_704, %div3A_683 : i32
    %mul3A_706 = arith.constant 8 : i32
    %mul3A_707 = arith.muli %mul3A_706, %select_n3A_705 : i32
    %dma_start3A_708 = arith.constant 10 : i32
    %dma_start3A_709 = arith.constant 0 : i32
    %dma_start3A_710 = arith.constant 0 : i32
    %dma_start3A_711 = tpu.memref_slice %arg4[%dma_start3A_708, %dma_start3A_709, %dma_start3A_710] : memref<16x63x32xf32, #tpu.memory_space<vmem>> -> memref<1x63x32xf32, #tpu.memory_space<vmem>>
    %dma_start3A_712 = tpu.memref_squeeze %dma_start3A_711 : memref<1x63x32xf32, #tpu.memory_space<vmem>> -> memref<63x32xf32, #tpu.memory_space<vmem>>
    %dma_start3A_713 = arith.constant 0 : i32
    %dma_start3A_714 = tpu.memref_slice %arg2[%select_n3A_681, %select_n3A, %dma_start3A_713, %mul3A_707] : memref<8x16x63x64xf32, #tpu.memory_space<hbm>> -> memref<1x1x63x32xf32, #tpu.memory_space<hbm>>
    %dma_start3A_715 = tpu.memref_squeeze %dma_start3A_714 : memref<1x1x63x32xf32, #tpu.memory_space<hbm>> -> memref<63x32xf32, #tpu.memory_space<hbm>>
    %dma_start3A_716 = arith.constant 0 : i32
    %dma_start3A_717 = arith.constant 0 : i32
    %dma_start3A_718 = tpu.memref_slice %arg4[%dma_start3A_708, %dma_start3A_716, %dma_start3A_717] : memref<16x63x32xf32, #tpu.memory_space<vmem>> -> memref<1x63x32xf32, #tpu.memory_space<vmem>>
    %dma_start3A_719 = tpu.memref_squeeze %dma_start3A_718 : memref<1x63x32xf32, #tpu.memory_space<vmem>> -> memref<63x32xf32, #tpu.memory_space<vmem>>
    %dma_start3A_720 = arith.constant 0 : i32
    %dma_start3A_721 = tpu.memref_slice %arg2[%select_n3A_681, %select_n3A, %dma_start3A_720, %mul3A_707] : memref<8x16x63x64xf32, #tpu.memory_space<hbm>> -> memref<1x1x63x32xf32, #tpu.memory_space<hbm>>
    %dma_start3A_722 = tpu.memref_squeeze %dma_start3A_721 : memref<1x1x63x32xf32, #tpu.memory_space<hbm>> -> memref<63x32xf32, #tpu.memory_space<hbm>>
    tpu.enqueue_dma source(%dma_start3A_722 : memref<63x32xf32, #tpu.memory_space<hbm>>) target(%dma_start3A_719 : memref<63x32xf32, #tpu.memory_space<vmem>>) target_semaphore(%arg5 : memref<!tpu.dma_semaphore, #tpu.memory_space<semaphore_mem>>)
    %mul3A_723 = arith.constant 16 : i32
    %mul3A_724 = arith.muli %select_n3A_30, %mul3A_723 : i32
    %add3A_725 = arith.constant 11 : i32
    %add3A_726 = arith.addi %mul3A_724, %add3A_725 : i32
    %sub3A_727 = arith.constant 31 : i32
    %sub3A_728 = arith.subi %sub3A_727, %add3A_726 : i32
    %jit3A_729 = arith.constant 8 : i32
    %eq3A_730 = arith.constant 0 : i32
    %eq3A_731 = arith.cmpi eq, %jit3A_729, %eq3A_730 : i32
    %jit3A_732 = arith.constant 1 : i32
    %select_n3A_733 = arith.select %eq3A_731, %jit3A_732, %jit3A_729 : i32
    %rem3A_734 = arith.remsi %sub3A_728, %select_n3A_733 : i32
    %ne3A_735 = arith.constant 0 : i32
    %ne3A_736 = arith.cmpi ne, %rem3A_734, %ne3A_735 : i32
    %lt3A_737 = arith.constant 0 : i32
    %lt3A_738 = arith.cmpi slt, %rem3A_734, %lt3A_737 : i32
    %lt3A_739 = arith.constant 0 : i32
    %lt3A_740 = arith.cmpi slt, %select_n3A_733, %lt3A_739 : i32
    %ne3A_741 = arith.xori %lt3A_738, %lt3A_740 : i1
    %and3A_742 = arith.andi %ne3A_741, %ne3A_736 : i1
    %add3A_743 = arith.addi %rem3A_734, %select_n3A_733 : i32
    %select_n3A_744 = arith.select %and3A_742, %add3A_743, %rem3A_734 : i32
    %jit3A_745 = arith.constant 8 : i32
    %div3A_746 = arith.divsi %sub3A_728, %jit3A_745 : i32
    %sign3A_747 = arith.constant 0 : i32
    %sign3A_748 = arith.cmpi sgt, %sub3A_728, %sign3A_747 : i32
    %sign3A_749 = arith.extui %sign3A_748 : i1 to i32
    %sign3A_750 = arith.constant 0 : i32
    %sign3A_751 = arith.cmpi slt, %sub3A_728, %sign3A_750 : i32
    %sign3A_752 = arith.extui %sign3A_751 : i1 to i32
    %sign3A_753 = arith.subi %sign3A_749, %sign3A_752 : i32
    %sign3A_754 = arith.constant 0 : i32
    %sign3A_755 = arith.cmpi sgt, %jit3A_745, %sign3A_754 : i32
    %sign3A_756 = arith.extui %sign3A_755 : i1 to i32
    %sign3A_757 = arith.constant 0 : i32
    %sign3A_758 = arith.cmpi slt, %jit3A_745, %sign3A_757 : i32
    %sign3A_759 = arith.extui %sign3A_758 : i1 to i32
    %sign3A_760 = arith.subi %sign3A_756, %sign3A_759 : i32
    %ne3A_761 = arith.cmpi ne, %sign3A_753, %sign3A_760 : i32
    %rem3A_762 = arith.remsi %sub3A_728, %jit3A_745 : i32
    %ne3A_763 = arith.constant 0 : i32
    %ne3A_764 = arith.cmpi ne, %rem3A_762, %ne3A_763 : i32
    %and3A_765 = arith.andi %ne3A_761, %ne3A_764 : i1
    %sub3A_766 = arith.constant 1 : i32
    %sub3A_767 = arith.subi %div3A_746, %sub3A_766 : i32
    %select_n3A_768 = arith.select %and3A_765, %sub3A_767, %div3A_746 : i32
    %mul3A_769 = arith.constant 8 : i32
    %mul3A_770 = arith.muli %mul3A_769, %select_n3A_768 : i32
    %dma_start3A_771 = arith.constant 11 : i32
    %dma_start3A_772 = arith.constant 0 : i32
    %dma_start3A_773 = arith.constant 0 : i32
    %dma_start3A_774 = tpu.memref_slice %arg4[%dma_start3A_771, %dma_start3A_772, %dma_start3A_773] : memref<16x63x32xf32, #tpu.memory_space<vmem>> -> memref<1x63x32xf32, #tpu.memory_space<vmem>>
    %dma_start3A_775 = tpu.memref_squeeze %dma_start3A_774 : memref<1x63x32xf32, #tpu.memory_space<vmem>> -> memref<63x32xf32, #tpu.memory_space<vmem>>
    %dma_start3A_776 = arith.constant 0 : i32
    %dma_start3A_777 = tpu.memref_slice %arg2[%select_n3A_744, %select_n3A, %dma_start3A_776, %mul3A_770] : memref<8x16x63x64xf32, #tpu.memory_space<hbm>> -> memref<1x1x63x32xf32, #tpu.memory_space<hbm>>
    %dma_start3A_778 = tpu.memref_squeeze %dma_start3A_777 : memref<1x1x63x32xf32, #tpu.memory_space<hbm>> -> memref<63x32xf32, #tpu.memory_space<hbm>>
    %dma_start3A_779 = arith.constant 0 : i32
    %dma_start3A_780 = arith.constant 0 : i32
    %dma_start3A_781 = tpu.memref_slice %arg4[%dma_start3A_771, %dma_start3A_779, %dma_start3A_780] : memref<16x63x32xf32, #tpu.memory_space<vmem>> -> memref<1x63x32xf32, #tpu.memory_space<vmem>>
    %dma_start3A_782 = tpu.memref_squeeze %dma_start3A_781 : memref<1x63x32xf32, #tpu.memory_space<vmem>> -> memref<63x32xf32, #tpu.memory_space<vmem>>
    %dma_start3A_783 = arith.constant 0 : i32
    %dma_start3A_784 = tpu.memref_slice %arg2[%select_n3A_744, %select_n3A, %dma_start3A_783, %mul3A_770] : memref<8x16x63x64xf32, #tpu.memory_space<hbm>> -> memref<1x1x63x32xf32, #tpu.memory_space<hbm>>
    %dma_start3A_785 = tpu.memref_squeeze %dma_start3A_784 : memref<1x1x63x32xf32, #tpu.memory_space<hbm>> -> memref<63x32xf32, #tpu.memory_space<hbm>>
    tpu.enqueue_dma source(%dma_start3A_785 : memref<63x32xf32, #tpu.memory_space<hbm>>) target(%dma_start3A_782 : memref<63x32xf32, #tpu.memory_space<vmem>>) target_semaphore(%arg5 : memref<!tpu.dma_semaphore, #tpu.memory_space<semaphore_mem>>)
    %mul3A_786 = arith.constant 16 : i32
    %mul3A_787 = arith.muli %select_n3A_30, %mul3A_786 : i32
    %add3A_788 = arith.constant 12 : i32
    %add3A_789 = arith.addi %mul3A_787, %add3A_788 : i32
    %sub3A_790 = arith.constant 31 : i32
    %sub3A_791 = arith.subi %sub3A_790, %add3A_789 : i32
    %jit3A_792 = arith.constant 8 : i32
    %eq3A_793 = arith.constant 0 : i32
    %eq3A_794 = arith.cmpi eq, %jit3A_792, %eq3A_793 : i32
    %jit3A_795 = arith.constant 1 : i32
    %select_n3A_796 = arith.select %eq3A_794, %jit3A_795, %jit3A_792 : i32
    %rem3A_797 = arith.remsi %sub3A_791, %select_n3A_796 : i32
    %ne3A_798 = arith.constant 0 : i32
    %ne3A_799 = arith.cmpi ne, %rem3A_797, %ne3A_798 : i32
    %lt3A_800 = arith.constant 0 : i32
    %lt3A_801 = arith.cmpi slt, %rem3A_797, %lt3A_800 : i32
    %lt3A_802 = arith.constant 0 : i32
    %lt3A_803 = arith.cmpi slt, %select_n3A_796, %lt3A_802 : i32
    %ne3A_804 = arith.xori %lt3A_801, %lt3A_803 : i1
    %and3A_805 = arith.andi %ne3A_804, %ne3A_799 : i1
    %add3A_806 = arith.addi %rem3A_797, %select_n3A_796 : i32
    %select_n3A_807 = arith.select %and3A_805, %add3A_806, %rem3A_797 : i32
    %jit3A_808 = arith.constant 8 : i32
    %div3A_809 = arith.divsi %sub3A_791, %jit3A_808 : i32
    %sign3A_810 = arith.constant 0 : i32
    %sign3A_811 = arith.cmpi sgt, %sub3A_791, %sign3A_810 : i32
    %sign3A_812 = arith.extui %sign3A_811 : i1 to i32
    %sign3A_813 = arith.constant 0 : i32
    %sign3A_814 = arith.cmpi slt, %sub3A_791, %sign3A_813 : i32
    %sign3A_815 = arith.extui %sign3A_814 : i1 to i32
    %sign3A_816 = arith.subi %sign3A_812, %sign3A_815 : i32
    %sign3A_817 = arith.constant 0 : i32
    %sign3A_818 = arith.cmpi sgt, %jit3A_808, %sign3A_817 : i32
    %sign3A_819 = arith.extui %sign3A_818 : i1 to i32
    %sign3A_820 = arith.constant 0 : i32
    %sign3A_821 = arith.cmpi slt, %jit3A_808, %sign3A_820 : i32
    %sign3A_822 = arith.extui %sign3A_821 : i1 to i32
    %sign3A_823 = arith.subi %sign3A_819, %sign3A_822 : i32
    %ne3A_824 = arith.cmpi ne, %sign3A_816, %sign3A_823 : i32
    %rem3A_825 = arith.remsi %sub3A_791, %jit3A_808 : i32
    %ne3A_826 = arith.constant 0 : i32
    %ne3A_827 = arith.cmpi ne, %rem3A_825, %ne3A_826 : i32
    %and3A_828 = arith.andi %ne3A_824, %ne3A_827 : i1
    %sub3A_829 = arith.constant 1 : i32
    %sub3A_830 = arith.subi %div3A_809, %sub3A_829 : i32
    %select_n3A_831 = arith.select %and3A_828, %sub3A_830, %div3A_809 : i32
    %mul3A_832 = arith.constant 8 : i32
    %mul3A_833 = arith.muli %mul3A_832, %select_n3A_831 : i32
    %dma_start3A_834 = arith.constant 12 : i32
    %dma_start3A_835 = arith.constant 0 : i32
    %dma_start3A_836 = arith.constant 0 : i32
    %dma_start3A_837 = tpu.memref_slice %arg4[%dma_start3A_834, %dma_start3A_835, %dma_start3A_836] : memref<16x63x32xf32, #tpu.memory_space<vmem>> -> memref<1x63x32xf32, #tpu.memory_space<vmem>>
    %dma_start3A_838 = tpu.memref_squeeze %dma_start3A_837 : memref<1x63x32xf32, #tpu.memory_space<vmem>> -> memref<63x32xf32, #tpu.memory_space<vmem>>
    %dma_start3A_839 = arith.constant 0 : i32
    %dma_start3A_840 = tpu.memref_slice %arg2[%select_n3A_807, %select_n3A, %dma_start3A_839, %mul3A_833] : memref<8x16x63x64xf32, #tpu.memory_space<hbm>> -> memref<1x1x63x32xf32, #tpu.memory_space<hbm>>
    %dma_start3A_841 = tpu.memref_squeeze %dma_start3A_840 : memref<1x1x63x32xf32, #tpu.memory_space<hbm>> -> memref<63x32xf32, #tpu.memory_space<hbm>>
    %dma_start3A_842 = arith.constant 0 : i32
    %dma_start3A_843 = arith.constant 0 : i32
    %dma_start3A_844 = tpu.memref_slice %arg4[%dma_start3A_834, %dma_start3A_842, %dma_start3A_843] : memref<16x63x32xf32, #tpu.memory_space<vmem>> -> memref<1x63x32xf32, #tpu.memory_space<vmem>>
    %dma_start3A_845 = tpu.memref_squeeze %dma_start3A_844 : memref<1x63x32xf32, #tpu.memory_space<vmem>> -> memref<63x32xf32, #tpu.memory_space<vmem>>
    %dma_start3A_846 = arith.constant 0 : i32
    %dma_start3A_847 = tpu.memref_slice %arg2[%select_n3A_807, %select_n3A, %dma_start3A_846, %mul3A_833] : memref<8x16x63x64xf32, #tpu.memory_space<hbm>> -> memref<1x1x63x32xf32, #tpu.memory_space<hbm>>
    %dma_start3A_848 = tpu.memref_squeeze %dma_start3A_847 : memref<1x1x63x32xf32, #tpu.memory_space<hbm>> -> memref<63x32xf32, #tpu.memory_space<hbm>>
    tpu.enqueue_dma source(%dma_start3A_848 : memref<63x32xf32, #tpu.memory_space<hbm>>) target(%dma_start3A_845 : memref<63x32xf32, #tpu.memory_space<vmem>>) target_semaphore(%arg5 : memref<!tpu.dma_semaphore, #tpu.memory_space<semaphore_mem>>)
    %mul3A_849 = arith.constant 16 : i32
    %mul3A_850 = arith.muli %select_n3A_30, %mul3A_849 : i32
    %add3A_851 = arith.constant 13 : i32
    %add3A_852 = arith.addi %mul3A_850, %add3A_851 : i32
    %sub3A_853 = arith.constant 31 : i32
    %sub3A_854 = arith.subi %sub3A_853, %add3A_852 : i32
    %jit3A_855 = arith.constant 8 : i32
    %eq3A_856 = arith.constant 0 : i32
    %eq3A_857 = arith.cmpi eq, %jit3A_855, %eq3A_856 : i32
    %jit3A_858 = arith.constant 1 : i32
    %select_n3A_859 = arith.select %eq3A_857, %jit3A_858, %jit3A_855 : i32
    %rem3A_860 = arith.remsi %sub3A_854, %select_n3A_859 : i32
    %ne3A_861 = arith.constant 0 : i32
    %ne3A_862 = arith.cmpi ne, %rem3A_860, %ne3A_861 : i32
    %lt3A_863 = arith.constant 0 : i32
    %lt3A_864 = arith.cmpi slt, %rem3A_860, %lt3A_863 : i32
    %lt3A_865 = arith.constant 0 : i32
    %lt3A_866 = arith.cmpi slt, %select_n3A_859, %lt3A_865 : i32
    %ne3A_867 = arith.xori %lt3A_864, %lt3A_866 : i1
    %and3A_868 = arith.andi %ne3A_867, %ne3A_862 : i1
    %add3A_869 = arith.addi %rem3A_860, %select_n3A_859 : i32
    %select_n3A_870 = arith.select %and3A_868, %add3A_869, %rem3A_860 : i32
    %jit3A_871 = arith.constant 8 : i32
    %div3A_872 = arith.divsi %sub3A_854, %jit3A_871 : i32
    %sign3A_873 = arith.constant 0 : i32
    %sign3A_874 = arith.cmpi sgt, %sub3A_854, %sign3A_873 : i32
    %sign3A_875 = arith.extui %sign3A_874 : i1 to i32
    %sign3A_876 = arith.constant 0 : i32
    %sign3A_877 = arith.cmpi slt, %sub3A_854, %sign3A_876 : i32
    %sign3A_878 = arith.extui %sign3A_877 : i1 to i32
    %sign3A_879 = arith.subi %sign3A_875, %sign3A_878 : i32
    %sign3A_880 = arith.constant 0 : i32
    %sign3A_881 = arith.cmpi sgt, %jit3A_871, %sign3A_880 : i32
    %sign3A_882 = arith.extui %sign3A_881 : i1 to i32
    %sign3A_883 = arith.constant 0 : i32
    %sign3A_884 = arith.cmpi slt, %jit3A_871, %sign3A_883 : i32
    %sign3A_885 = arith.extui %sign3A_884 : i1 to i32
    %sign3A_886 = arith.subi %sign3A_882, %sign3A_885 : i32
    %ne3A_887 = arith.cmpi ne, %sign3A_879, %sign3A_886 : i32
    %rem3A_888 = arith.remsi %sub3A_854, %jit3A_871 : i32
    %ne3A_889 = arith.constant 0 : i32
    %ne3A_890 = arith.cmpi ne, %rem3A_888, %ne3A_889 : i32
    %and3A_891 = arith.andi %ne3A_887, %ne3A_890 : i1
    %sub3A_892 = arith.constant 1 : i32
    %sub3A_893 = arith.subi %div3A_872, %sub3A_892 : i32
    %select_n3A_894 = arith.select %and3A_891, %sub3A_893, %div3A_872 : i32
    %mul3A_895 = arith.constant 8 : i32
    %mul3A_896 = arith.muli %mul3A_895, %select_n3A_894 : i32
    %dma_start3A_897 = arith.constant 13 : i32
    %dma_start3A_898 = arith.constant 0 : i32
    %dma_start3A_899 = arith.constant 0 : i32
    %dma_start3A_900 = tpu.memref_slice %arg4[%dma_start3A_897, %dma_start3A_898, %dma_start3A_899] : memref<16x63x32xf32, #tpu.memory_space<vmem>> -> memref<1x63x32xf32, #tpu.memory_space<vmem>>
    %dma_start3A_901 = tpu.memref_squeeze %dma_start3A_900 : memref<1x63x32xf32, #tpu.memory_space<vmem>> -> memref<63x32xf32, #tpu.memory_space<vmem>>
    %dma_start3A_902 = arith.constant 0 : i32
    %dma_start3A_903 = tpu.memref_slice %arg2[%select_n3A_870, %select_n3A, %dma_start3A_902, %mul3A_896] : memref<8x16x63x64xf32, #tpu.memory_space<hbm>> -> memref<1x1x63x32xf32, #tpu.memory_space<hbm>>
    %dma_start3A_904 = tpu.memref_squeeze %dma_start3A_903 : memref<1x1x63x32xf32, #tpu.memory_space<hbm>> -> memref<63x32xf32, #tpu.memory_space<hbm>>
    %dma_start3A_905 = arith.constant 0 : i32
    %dma_start3A_906 = arith.constant 0 : i32
    %dma_start3A_907 = tpu.memref_slice %arg4[%dma_start3A_897, %dma_start3A_905, %dma_start3A_906] : memref<16x63x32xf32, #tpu.memory_space<vmem>> -> memref<1x63x32xf32, #tpu.memory_space<vmem>>
    %dma_start3A_908 = tpu.memref_squeeze %dma_start3A_907 : memref<1x63x32xf32, #tpu.memory_space<vmem>> -> memref<63x32xf32, #tpu.memory_space<vmem>>
    %dma_start3A_909 = arith.constant 0 : i32
    %dma_start3A_910 = tpu.memref_slice %arg2[%select_n3A_870, %select_n3A, %dma_start3A_909, %mul3A_896] : memref<8x16x63x64xf32, #tpu.memory_space<hbm>> -> memref<1x1x63x32xf32, #tpu.memory_space<hbm>>
    %dma_start3A_911 = tpu.memref_squeeze %dma_start3A_910 : memref<1x1x63x32xf32, #tpu.memory_space<hbm>> -> memref<63x32xf32, #tpu.memory_space<hbm>>
    tpu.enqueue_dma source(%dma_start3A_911 : memref<63x32xf32, #tpu.memory_space<hbm>>) target(%dma_start3A_908 : memref<63x32xf32, #tpu.memory_space<vmem>>) target_semaphore(%arg5 : memref<!tpu.dma_semaphore, #tpu.memory_space<semaphore_mem>>)
    %mul3A_912 = arith.constant 16 : i32
    %mul3A_913 = arith.muli %select_n3A_30, %mul3A_912 : i32
    %add3A_914 = arith.constant 14 : i32
    %add3A_915 = arith.addi %mul3A_913, %add3A_914 : i32
    %sub3A_916 = arith.constant 31 : i32
    %sub3A_917 = arith.subi %sub3A_916, %add3A_915 : i32
    %jit3A_918 = arith.constant 8 : i32
    %eq3A_919 = arith.constant 0 : i32
    %eq3A_920 = arith.cmpi eq, %jit3A_918, %eq3A_919 : i32
    %jit3A_921 = arith.constant 1 : i32
    %select_n3A_922 = arith.select %eq3A_920, %jit3A_921, %jit3A_918 : i32
    %rem3A_923 = arith.remsi %sub3A_917, %select_n3A_922 : i32
    %ne3A_924 = arith.constant 0 : i32
    %ne3A_925 = arith.cmpi ne, %rem3A_923, %ne3A_924 : i32
    %lt3A_926 = arith.constant 0 : i32
    %lt3A_927 = arith.cmpi slt, %rem3A_923, %lt3A_926 : i32
    %lt3A_928 = arith.constant 0 : i32
    %lt3A_929 = arith.cmpi slt, %select_n3A_922, %lt3A_928 : i32
    %ne3A_930 = arith.xori %lt3A_927, %lt3A_929 : i1
    %and3A_931 = arith.andi %ne3A_930, %ne3A_925 : i1
    %add3A_932 = arith.addi %rem3A_923, %select_n3A_922 : i32
    %select_n3A_933 = arith.select %and3A_931, %add3A_932, %rem3A_923 : i32
    %jit3A_934 = arith.constant 8 : i32
    %div3A_935 = arith.divsi %sub3A_917, %jit3A_934 : i32
    %sign3A_936 = arith.constant 0 : i32
    %sign3A_937 = arith.cmpi sgt, %sub3A_917, %sign3A_936 : i32
    %sign3A_938 = arith.extui %sign3A_937 : i1 to i32
    %sign3A_939 = arith.constant 0 : i32
    %sign3A_940 = arith.cmpi slt, %sub3A_917, %sign3A_939 : i32
    %sign3A_941 = arith.extui %sign3A_940 : i1 to i32
    %sign3A_942 = arith.subi %sign3A_938, %sign3A_941 : i32
    %sign3A_943 = arith.constant 0 : i32
    %sign3A_944 = arith.cmpi sgt, %jit3A_934, %sign3A_943 : i32
    %sign3A_945 = arith.extui %sign3A_944 : i1 to i32
    %sign3A_946 = arith.constant 0 : i32
    %sign3A_947 = arith.cmpi slt, %jit3A_934, %sign3A_946 : i32
    %sign3A_948 = arith.extui %sign3A_947 : i1 to i32
    %sign3A_949 = arith.subi %sign3A_945, %sign3A_948 : i32
    %ne3A_950 = arith.cmpi ne, %sign3A_942, %sign3A_949 : i32
    %rem3A_951 = arith.remsi %sub3A_917, %jit3A_934 : i32
    %ne3A_952 = arith.constant 0 : i32
    %ne3A_953 = arith.cmpi ne, %rem3A_951, %ne3A_952 : i32
    %and3A_954 = arith.andi %ne3A_950, %ne3A_953 : i1
    %sub3A_955 = arith.constant 1 : i32
    %sub3A_956 = arith.subi %div3A_935, %sub3A_955 : i32
    %select_n3A_957 = arith.select %and3A_954, %sub3A_956, %div3A_935 : i32
    %mul3A_958 = arith.constant 8 : i32
    %mul3A_959 = arith.muli %mul3A_958, %select_n3A_957 : i32
    %dma_start3A_960 = arith.constant 14 : i32
    %dma_start3A_961 = arith.constant 0 : i32
    %dma_start3A_962 = arith.constant 0 : i32
    %dma_start3A_963 = tpu.memref_slice %arg4[%dma_start3A_960, %dma_start3A_961, %dma_start3A_962] : memref<16x63x32xf32, #tpu.memory_space<vmem>> -> memref<1x63x32xf32, #tpu.memory_space<vmem>>
    %dma_start3A_964 = tpu.memref_squeeze %dma_start3A_963 : memref<1x63x32xf32, #tpu.memory_space<vmem>> -> memref<63x32xf32, #tpu.memory_space<vmem>>
    %dma_start3A_965 = arith.constant 0 : i32
    %dma_start3A_966 = tpu.memref_slice %arg2[%select_n3A_933, %select_n3A, %dma_start3A_965, %mul3A_959] : memref<8x16x63x64xf32, #tpu.memory_space<hbm>> -> memref<1x1x63x32xf32, #tpu.memory_space<hbm>>
    %dma_start3A_967 = tpu.memref_squeeze %dma_start3A_966 : memref<1x1x63x32xf32, #tpu.memory_space<hbm>> -> memref<63x32xf32, #tpu.memory_space<hbm>>
    %dma_start3A_968 = arith.constant 0 : i32
    %dma_start3A_969 = arith.constant 0 : i32
    %dma_start3A_970 = tpu.memref_slice %arg4[%dma_start3A_960, %dma_start3A_968, %dma_start3A_969] : memref<16x63x32xf32, #tpu.memory_space<vmem>> -> memref<1x63x32xf32, #tpu.memory_space<vmem>>
    %dma_start3A_971 = tpu.memref_squeeze %dma_start3A_970 : memref<1x63x32xf32, #tpu.memory_space<vmem>> -> memref<63x32xf32, #tpu.memory_space<vmem>>
    %dma_start3A_972 = arith.constant 0 : i32
    %dma_start3A_973 = tpu.memref_slice %arg2[%select_n3A_933, %select_n3A, %dma_start3A_972, %mul3A_959] : memref<8x16x63x64xf32, #tpu.memory_space<hbm>> -> memref<1x1x63x32xf32, #tpu.memory_space<hbm>>
    %dma_start3A_974 = tpu.memref_squeeze %dma_start3A_973 : memref<1x1x63x32xf32, #tpu.memory_space<hbm>> -> memref<63x32xf32, #tpu.memory_space<hbm>>
    tpu.enqueue_dma source(%dma_start3A_974 : memref<63x32xf32, #tpu.memory_space<hbm>>) target(%dma_start3A_971 : memref<63x32xf32, #tpu.memory_space<vmem>>) target_semaphore(%arg5 : memref<!tpu.dma_semaphore, #tpu.memory_space<semaphore_mem>>)
    %mul3A_975 = arith.constant 16 : i32
    %mul3A_976 = arith.muli %select_n3A_30, %mul3A_975 : i32
    %add3A_977 = arith.constant 15 : i32
    %add3A_978 = arith.addi %mul3A_976, %add3A_977 : i32
    %sub3A_979 = arith.constant 31 : i32
    %sub3A_980 = arith.subi %sub3A_979, %add3A_978 : i32
    %jit3A_981 = arith.constant 8 : i32
    %eq3A_982 = arith.constant 0 : i32
    %eq3A_983 = arith.cmpi eq, %jit3A_981, %eq3A_982 : i32
    %jit3A_984 = arith.constant 1 : i32
    %select_n3A_985 = arith.select %eq3A_983, %jit3A_984, %jit3A_981 : i32
    %rem3A_986 = arith.remsi %sub3A_980, %select_n3A_985 : i32
    %ne3A_987 = arith.constant 0 : i32
    %ne3A_988 = arith.cmpi ne, %rem3A_986, %ne3A_987 : i32
    %lt3A_989 = arith.constant 0 : i32
    %lt3A_990 = arith.cmpi slt, %rem3A_986, %lt3A_989 : i32
    %lt3A_991 = arith.constant 0 : i32
    %lt3A_992 = arith.cmpi slt, %select_n3A_985, %lt3A_991 : i32
    %ne3A_993 = arith.xori %lt3A_990, %lt3A_992 : i1
    %and3A_994 = arith.andi %ne3A_993, %ne3A_988 : i1
    %add3A_995 = arith.addi %rem3A_986, %select_n3A_985 : i32
    %select_n3A_996 = arith.select %and3A_994, %add3A_995, %rem3A_986 : i32
    %jit3A_997 = arith.constant 8 : i32
    %div3A_998 = arith.divsi %sub3A_980, %jit3A_997 : i32
    %sign3A_999 = arith.constant 0 : i32
    %sign3A_1000 = arith.cmpi sgt, %sub3A_980, %sign3A_999 : i32
    %sign3A_1001 = arith.extui %sign3A_1000 : i1 to i32
    %sign3A_1002 = arith.constant 0 : i32
    %sign3A_1003 = arith.cmpi slt, %sub3A_980, %sign3A_1002 : i32
    %sign3A_1004 = arith.extui %sign3A_1003 : i1 to i32
    %sign3A_1005 = arith.subi %sign3A_1001, %sign3A_1004 : i32
    %sign3A_1006 = arith.constant 0 : i32
    %sign3A_1007 = arith.cmpi sgt, %jit3A_997, %sign3A_1006 : i32
    %sign3A_1008 = arith.extui %sign3A_1007 : i1 to i32
    %sign3A_1009 = arith.constant 0 : i32
    %sign3A_1010 = arith.cmpi slt, %jit3A_997, %sign3A_1009 : i32
    %sign3A_1011 = arith.extui %sign3A_1010 : i1 to i32
    %sign3A_1012 = arith.subi %sign3A_1008, %sign3A_1011 : i32
    %ne3A_1013 = arith.cmpi ne, %sign3A_1005, %sign3A_1012 : i32
    %rem3A_1014 = arith.remsi %sub3A_980, %jit3A_997 : i32
    %ne3A_1015 = arith.constant 0 : i32
    %ne3A_1016 = arith.cmpi ne, %rem3A_1014, %ne3A_1015 : i32
    %and3A_1017 = arith.andi %ne3A_1013, %ne3A_1016 : i1
    %sub3A_1018 = arith.constant 1 : i32
    %sub3A_1019 = arith.subi %div3A_998, %sub3A_1018 : i32
    %select_n3A_1020 = arith.select %and3A_1017, %sub3A_1019, %div3A_998 : i32
    %mul3A_1021 = arith.constant 8 : i32
    %mul3A_1022 = arith.muli %mul3A_1021, %select_n3A_1020 : i32
    %dma_start3A_1023 = arith.constant 15 : i32
    %dma_start3A_1024 = arith.constant 0 : i32
    %dma_start3A_1025 = arith.constant 0 : i32
    %dma_start3A_1026 = tpu.memref_slice %arg4[%dma_start3A_1023, %dma_start3A_1024, %dma_start3A_1025] : memref<16x63x32xf32, #tpu.memory_space<vmem>> -> memref<1x63x32xf32, #tpu.memory_space<vmem>>
    %dma_start3A_1027 = tpu.memref_squeeze %dma_start3A_1026 : memref<1x63x32xf32, #tpu.memory_space<vmem>> -> memref<63x32xf32, #tpu.memory_space<vmem>>
    %dma_start3A_1028 = arith.constant 0 : i32
    %dma_start3A_1029 = tpu.memref_slice %arg2[%select_n3A_996, %select_n3A, %dma_start3A_1028, %mul3A_1022] : memref<8x16x63x64xf32, #tpu.memory_space<hbm>> -> memref<1x1x63x32xf32, #tpu.memory_space<hbm>>
    %dma_start3A_1030 = tpu.memref_squeeze %dma_start3A_1029 : memref<1x1x63x32xf32, #tpu.memory_space<hbm>> -> memref<63x32xf32, #tpu.memory_space<hbm>>
    %dma_start3A_1031 = arith.constant 0 : i32
    %dma_start3A_1032 = arith.constant 0 : i32
    %dma_start3A_1033 = tpu.memref_slice %arg4[%dma_start3A_1023, %dma_start3A_1031, %dma_start3A_1032] : memref<16x63x32xf32, #tpu.memory_space<vmem>> -> memref<1x63x32xf32, #tpu.memory_space<vmem>>
    %dma_start3A_1034 = tpu.memref_squeeze %dma_start3A_1033 : memref<1x63x32xf32, #tpu.memory_space<vmem>> -> memref<63x32xf32, #tpu.memory_space<vmem>>
    %dma_start3A_1035 = arith.constant 0 : i32
    %dma_start3A_1036 = tpu.memref_slice %arg2[%select_n3A_996, %select_n3A, %dma_start3A_1035, %mul3A_1022] : memref<8x16x63x64xf32, #tpu.memory_space<hbm>> -> memref<1x1x63x32xf32, #tpu.memory_space<hbm>>
    %dma_start3A_1037 = tpu.memref_squeeze %dma_start3A_1036 : memref<1x1x63x32xf32, #tpu.memory_space<hbm>> -> memref<63x32xf32, #tpu.memory_space<hbm>>
    tpu.enqueue_dma source(%dma_start3A_1037 : memref<63x32xf32, #tpu.memory_space<hbm>>) target(%dma_start3A_1034 : memref<63x32xf32, #tpu.memory_space<vmem>>) target_semaphore(%arg5 : memref<!tpu.dma_semaphore, #tpu.memory_space<semaphore_mem>>)
    %dma_wait3A = arith.constant 0 : i32
    %dma_wait3A_1038 = arith.constant 0 : i32
    %dma_wait3A_1039 = arith.constant 0 : i32
    %dma_wait3A_1040 = tpu.memref_slice %arg4[%dma_wait3A, %dma_wait3A_1038, %dma_wait3A_1039] : memref<16x63x32xf32, #tpu.memory_space<vmem>> -> memref<1x63x32xf32, #tpu.memory_space<vmem>>
    %dma_wait3A_1041 = tpu.memref_squeeze %dma_wait3A_1040 : memref<1x63x32xf32, #tpu.memory_space<vmem>> -> memref<63x32xf32, #tpu.memory_space<vmem>>
    %dma_wait3A_1042 = arith.constant 0 : i32
    %dma_wait3A_1043 = tpu.memref_slice %arg2[%select_n3A_52, %select_n3A, %dma_wait3A_1042, %mul3A_78] : memref<8x16x63x64xf32, #tpu.memory_space<hbm>> -> memref<1x1x63x32xf32, #tpu.memory_space<hbm>>
    %dma_wait3A_1044 = tpu.memref_squeeze %dma_wait3A_1043 : memref<1x1x63x32xf32, #tpu.memory_space<hbm>> -> memref<63x32xf32, #tpu.memory_space<hbm>>
    %dma_wait3A_1045 = arith.constant 0 : i32
    %dma_wait3A_1046 = arith.constant 0 : i32
    %dma_wait3A_1047 = tpu.memref_slice %arg4[%dma_wait3A, %dma_wait3A_1045, %dma_wait3A_1046] : memref<16x63x32xf32, #tpu.memory_space<vmem>> -> memref<1x63x32xf32, #tpu.memory_space<vmem>>
    %dma_wait3A_1048 = tpu.memref_squeeze %dma_wait3A_1047 : memref<1x63x32xf32, #tpu.memory_space<vmem>> -> memref<63x32xf32, #tpu.memory_space<vmem>>
    %dma_wait3A_1049 = arith.constant 0 : i32
    %dma_wait3A_1050 = tpu.memref_slice %arg2[%select_n3A_52, %select_n3A, %dma_wait3A_1049, %mul3A_78] : memref<8x16x63x64xf32, #tpu.memory_space<hbm>> -> memref<1x1x63x32xf32, #tpu.memory_space<hbm>>
    %dma_wait3A_1051 = tpu.memref_squeeze %dma_wait3A_1050 : memref<1x1x63x32xf32, #tpu.memory_space<hbm>> -> memref<63x32xf32, #tpu.memory_space<hbm>>
    tpu.wait_dma2 semaphore(%arg5 : memref<!tpu.dma_semaphore, #tpu.memory_space<semaphore_mem>>) src(%dma_wait3A_1051 : memref<63x32xf32, #tpu.memory_space<hbm>>) dst(%dma_wait3A_1048 : memref<63x32xf32, #tpu.memory_space<vmem>>)
    %dma_wait3A_1052 = arith.constant 1 : i32
    %dma_wait3A_1053 = arith.constant 0 : i32
    %dma_wait3A_1054 = arith.constant 0 : i32
    %dma_wait3A_1055 = tpu.memref_slice %arg4[%dma_wait3A_1052, %dma_wait3A_1053, %dma_wait3A_1054] : memref<16x63x32xf32, #tpu.memory_space<vmem>> -> memref<1x63x32xf32, #tpu.memory_space<vmem>>
    %dma_wait3A_1056 = tpu.memref_squeeze %dma_wait3A_1055 : memref<1x63x32xf32, #tpu.memory_space<vmem>> -> memref<63x32xf32, #tpu.memory_space<vmem>>
    %dma_wait3A_1057 = arith.constant 0 : i32
    %dma_wait3A_1058 = tpu.memref_slice %arg2[%select_n3A_114, %select_n3A, %dma_wait3A_1057, %mul3A_140] : memref<8x16x63x64xf32, #tpu.memory_space<hbm>> -> memref<1x1x63x32xf32, #tpu.memory_space<hbm>>
    %dma_wait3A_1059 = tpu.memref_squeeze %dma_wait3A_1058 : memref<1x1x63x32xf32, #tpu.memory_space<hbm>> -> memref<63x32xf32, #tpu.memory_space<hbm>>
    %dma_wait3A_1060 = arith.constant 0 : i32
    %dma_wait3A_1061 = arith.constant 0 : i32
    %dma_wait3A_1062 = tpu.memref_slice %arg4[%dma_wait3A_1052, %dma_wait3A_1060, %dma_wait3A_1061] : memref<16x63x32xf32, #tpu.memory_space<vmem>> -> memref<1x63x32xf32, #tpu.memory_space<vmem>>
    %dma_wait3A_1063 = tpu.memref_squeeze %dma_wait3A_1062 : memref<1x63x32xf32, #tpu.memory_space<vmem>> -> memref<63x32xf32, #tpu.memory_space<vmem>>
    %dma_wait3A_1064 = arith.constant 0 : i32
    %dma_wait3A_1065 = tpu.memref_slice %arg2[%select_n3A_114, %select_n3A, %dma_wait3A_1064, %mul3A_140] : memref<8x16x63x64xf32, #tpu.memory_space<hbm>> -> memref<1x1x63x32xf32, #tpu.memory_space<hbm>>
    %dma_wait3A_1066 = tpu.memref_squeeze %dma_wait3A_1065 : memref<1x1x63x32xf32, #tpu.memory_space<hbm>> -> memref<63x32xf32, #tpu.memory_space<hbm>>
    tpu.wait_dma2 semaphore(%arg5 : memref<!tpu.dma_semaphore, #tpu.memory_space<semaphore_mem>>) src(%dma_wait3A_1066 : memref<63x32xf32, #tpu.memory_space<hbm>>) dst(%dma_wait3A_1063 : memref<63x32xf32, #tpu.memory_space<vmem>>)
    %dma_wait3A_1067 = arith.constant 2 : i32
    %dma_wait3A_1068 = arith.constant 0 : i32
    %dma_wait3A_1069 = arith.constant 0 : i32
    %dma_wait3A_1070 = tpu.memref_slice %arg4[%dma_wait3A_1067, %dma_wait3A_1068, %dma_wait3A_1069] : memref<16x63x32xf32, #tpu.memory_space<vmem>> -> memref<1x63x32xf32, #tpu.memory_space<vmem>>
    %dma_wait3A_1071 = tpu.memref_squeeze %dma_wait3A_1070 : memref<1x63x32xf32, #tpu.memory_space<vmem>> -> memref<63x32xf32, #tpu.memory_space<vmem>>
    %dma_wait3A_1072 = arith.constant 0 : i32
    %dma_wait3A_1073 = tpu.memref_slice %arg2[%select_n3A_177, %select_n3A, %dma_wait3A_1072, %mul3A_203] : memref<8x16x63x64xf32, #tpu.memory_space<hbm>> -> memref<1x1x63x32xf32, #tpu.memory_space<hbm>>
    %dma_wait3A_1074 = tpu.memref_squeeze %dma_wait3A_1073 : memref<1x1x63x32xf32, #tpu.memory_space<hbm>> -> memref<63x32xf32, #tpu.memory_space<hbm>>
    %dma_wait3A_1075 = arith.constant 0 : i32
    %dma_wait3A_1076 = arith.constant 0 : i32
    %dma_wait3A_1077 = tpu.memref_slice %arg4[%dma_wait3A_1067, %dma_wait3A_1075, %dma_wait3A_1076] : memref<16x63x32xf32, #tpu.memory_space<vmem>> -> memref<1x63x32xf32, #tpu.memory_space<vmem>>
    %dma_wait3A_1078 = tpu.memref_squeeze %dma_wait3A_1077 : memref<1x63x32xf32, #tpu.memory_space<vmem>> -> memref<63x32xf32, #tpu.memory_space<vmem>>
    %dma_wait3A_1079 = arith.constant 0 : i32
    %dma_wait3A_1080 = tpu.memref_slice %arg2[%select_n3A_177, %select_n3A, %dma_wait3A_1079, %mul3A_203] : memref<8x16x63x64xf32, #tpu.memory_space<hbm>> -> memref<1x1x63x32xf32, #tpu.memory_space<hbm>>
    %dma_wait3A_1081 = tpu.memref_squeeze %dma_wait3A_1080 : memref<1x1x63x32xf32, #tpu.memory_space<hbm>> -> memref<63x32xf32, #tpu.memory_space<hbm>>
    tpu.wait_dma2 semaphore(%arg5 : memref<!tpu.dma_semaphore, #tpu.memory_space<semaphore_mem>>) src(%dma_wait3A_1081 : memref<63x32xf32, #tpu.memory_space<hbm>>) dst(%dma_wait3A_1078 : memref<63x32xf32, #tpu.memory_space<vmem>>)
    %dma_wait3A_1082 = arith.constant 3 : i32
    %dma_wait3A_1083 = arith.constant 0 : i32
    %dma_wait3A_1084 = arith.constant 0 : i32
    %dma_wait3A_1085 = tpu.memref_slice %arg4[%dma_wait3A_1082, %dma_wait3A_1083, %dma_wait3A_1084] : memref<16x63x32xf32, #tpu.memory_space<vmem>> -> memref<1x63x32xf32, #tpu.memory_space<vmem>>
    %dma_wait3A_1086 = tpu.memref_squeeze %dma_wait3A_1085 : memref<1x63x32xf32, #tpu.memory_space<vmem>> -> memref<63x32xf32, #tpu.memory_space<vmem>>
    %dma_wait3A_1087 = arith.constant 0 : i32
    %dma_wait3A_1088 = tpu.memref_slice %arg2[%select_n3A_240, %select_n3A, %dma_wait3A_1087, %mul3A_266] : memref<8x16x63x64xf32, #tpu.memory_space<hbm>> -> memref<1x1x63x32xf32, #tpu.memory_space<hbm>>
    %dma_wait3A_1089 = tpu.memref_squeeze %dma_wait3A_1088 : memref<1x1x63x32xf32, #tpu.memory_space<hbm>> -> memref<63x32xf32, #tpu.memory_space<hbm>>
    %dma_wait3A_1090 = arith.constant 0 : i32
    %dma_wait3A_1091 = arith.constant 0 : i32
    %dma_wait3A_1092 = tpu.memref_slice %arg4[%dma_wait3A_1082, %dma_wait3A_1090, %dma_wait3A_1091] : memref<16x63x32xf32, #tpu.memory_space<vmem>> -> memref<1x63x32xf32, #tpu.memory_space<vmem>>
    %dma_wait3A_1093 = tpu.memref_squeeze %dma_wait3A_1092 : memref<1x63x32xf32, #tpu.memory_space<vmem>> -> memref<63x32xf32, #tpu.memory_space<vmem>>
    %dma_wait3A_1094 = arith.constant 0 : i32
    %dma_wait3A_1095 = tpu.memref_slice %arg2[%select_n3A_240, %select_n3A, %dma_wait3A_1094, %mul3A_266] : memref<8x16x63x64xf32, #tpu.memory_space<hbm>> -> memref<1x1x63x32xf32, #tpu.memory_space<hbm>>
    %dma_wait3A_1096 = tpu.memref_squeeze %dma_wait3A_1095 : memref<1x1x63x32xf32, #tpu.memory_space<hbm>> -> memref<63x32xf32, #tpu.memory_space<hbm>>
    tpu.wait_dma2 semaphore(%arg5 : memref<!tpu.dma_semaphore, #tpu.memory_space<semaphore_mem>>) src(%dma_wait3A_1096 : memref<63x32xf32, #tpu.memory_space<hbm>>) dst(%dma_wait3A_1093 : memref<63x32xf32, #tpu.memory_space<vmem>>)
    %dma_wait3A_1097 = arith.constant 4 : i32
    %dma_wait3A_1098 = arith.constant 0 : i32
    %dma_wait3A_1099 = arith.constant 0 : i32
    %dma_wait3A_1100 = tpu.memref_slice %arg4[%dma_wait3A_1097, %dma_wait3A_1098, %dma_wait3A_1099] : memref<16x63x32xf32, #tpu.memory_space<vmem>> -> memref<1x63x32xf32, #tpu.memory_space<vmem>>
    %dma_wait3A_1101 = tpu.memref_squeeze %dma_wait3A_1100 : memref<1x63x32xf32, #tpu.memory_space<vmem>> -> memref<63x32xf32, #tpu.memory_space<vmem>>
    %dma_wait3A_1102 = arith.constant 0 : i32
    %dma_wait3A_1103 = tpu.memref_slice %arg2[%select_n3A_303, %select_n3A, %dma_wait3A_1102, %mul3A_329] : memref<8x16x63x64xf32, #tpu.memory_space<hbm>> -> memref<1x1x63x32xf32, #tpu.memory_space<hbm>>
    %dma_wait3A_1104 = tpu.memref_squeeze %dma_wait3A_1103 : memref<1x1x63x32xf32, #tpu.memory_space<hbm>> -> memref<63x32xf32, #tpu.memory_space<hbm>>
    %dma_wait3A_1105 = arith.constant 0 : i32
    %dma_wait3A_1106 = arith.constant 0 : i32
    %dma_wait3A_1107 = tpu.memref_slice %arg4[%dma_wait3A_1097, %dma_wait3A_1105, %dma_wait3A_1106] : memref<16x63x32xf32, #tpu.memory_space<vmem>> -> memref<1x63x32xf32, #tpu.memory_space<vmem>>
    %dma_wait3A_1108 = tpu.memref_squeeze %dma_wait3A_1107 : memref<1x63x32xf32, #tpu.memory_space<vmem>> -> memref<63x32xf32, #tpu.memory_space<vmem>>
    %dma_wait3A_1109 = arith.constant 0 : i32
    %dma_wait3A_1110 = tpu.memref_slice %arg2[%select_n3A_303, %select_n3A, %dma_wait3A_1109, %mul3A_329] : memref<8x16x63x64xf32, #tpu.memory_space<hbm>> -> memref<1x1x63x32xf32, #tpu.memory_space<hbm>>
    %dma_wait3A_1111 = tpu.memref_squeeze %dma_wait3A_1110 : memref<1x1x63x32xf32, #tpu.memory_space<hbm>> -> memref<63x32xf32, #tpu.memory_space<hbm>>
    tpu.wait_dma2 semaphore(%arg5 : memref<!tpu.dma_semaphore, #tpu.memory_space<semaphore_mem>>) src(%dma_wait3A_1111 : memref<63x32xf32, #tpu.memory_space<hbm>>) dst(%dma_wait3A_1108 : memref<63x32xf32, #tpu.memory_space<vmem>>)
    %dma_wait3A_1112 = arith.constant 5 : i32
    %dma_wait3A_1113 = arith.constant 0 : i32
    %dma_wait3A_1114 = arith.constant 0 : i32
    %dma_wait3A_1115 = tpu.memref_slice %arg4[%dma_wait3A_1112, %dma_wait3A_1113, %dma_wait3A_1114] : memref<16x63x32xf32, #tpu.memory_space<vmem>> -> memref<1x63x32xf32, #tpu.memory_space<vmem>>
    %dma_wait3A_1116 = tpu.memref_squeeze %dma_wait3A_1115 : memref<1x63x32xf32, #tpu.memory_space<vmem>> -> memref<63x32xf32, #tpu.memory_space<vmem>>
    %dma_wait3A_1117 = arith.constant 0 : i32
    %dma_wait3A_1118 = tpu.memref_slice %arg2[%select_n3A_366, %select_n3A, %dma_wait3A_1117, %mul3A_392] : memref<8x16x63x64xf32, #tpu.memory_space<hbm>> -> memref<1x1x63x32xf32, #tpu.memory_space<hbm>>
    %dma_wait3A_1119 = tpu.memref_squeeze %dma_wait3A_1118 : memref<1x1x63x32xf32, #tpu.memory_space<hbm>> -> memref<63x32xf32, #tpu.memory_space<hbm>>
    %dma_wait3A_1120 = arith.constant 0 : i32
    %dma_wait3A_1121 = arith.constant 0 : i32
    %dma_wait3A_1122 = tpu.memref_slice %arg4[%dma_wait3A_1112, %dma_wait3A_1120, %dma_wait3A_1121] : memref<16x63x32xf32, #tpu.memory_space<vmem>> -> memref<1x63x32xf32, #tpu.memory_space<vmem>>
    %dma_wait3A_1123 = tpu.memref_squeeze %dma_wait3A_1122 : memref<1x63x32xf32, #tpu.memory_space<vmem>> -> memref<63x32xf32, #tpu.memory_space<vmem>>
    %dma_wait3A_1124 = arith.constant 0 : i32
    %dma_wait3A_1125 = tpu.memref_slice %arg2[%select_n3A_366, %select_n3A, %dma_wait3A_1124, %mul3A_392] : memref<8x16x63x64xf32, #tpu.memory_space<hbm>> -> memref<1x1x63x32xf32, #tpu.memory_space<hbm>>
    %dma_wait3A_1126 = tpu.memref_squeeze %dma_wait3A_1125 : memref<1x1x63x32xf32, #tpu.memory_space<hbm>> -> memref<63x32xf32, #tpu.memory_space<hbm>>
    tpu.wait_dma2 semaphore(%arg5 : memref<!tpu.dma_semaphore, #tpu.memory_space<semaphore_mem>>) src(%dma_wait3A_1126 : memref<63x32xf32, #tpu.memory_space<hbm>>) dst(%dma_wait3A_1123 : memref<63x32xf32, #tpu.memory_space<vmem>>)
    %dma_wait3A_1127 = arith.constant 6 : i32
    %dma_wait3A_1128 = arith.constant 0 : i32
    %dma_wait3A_1129 = arith.constant 0 : i32
    %dma_wait3A_1130 = tpu.memref_slice %arg4[%dma_wait3A_1127, %dma_wait3A_1128, %dma_wait3A_1129] : memref<16x63x32xf32, #tpu.memory_space<vmem>> -> memref<1x63x32xf32, #tpu.memory_space<vmem>>
    %dma_wait3A_1131 = tpu.memref_squeeze %dma_wait3A_1130 : memref<1x63x32xf32, #tpu.memory_space<vmem>> -> memref<63x32xf32, #tpu.memory_space<vmem>>
    %dma_wait3A_1132 = arith.constant 0 : i32
    %dma_wait3A_1133 = tpu.memref_slice %arg2[%select_n3A_429, %select_n3A, %dma_wait3A_1132, %mul3A_455] : memref<8x16x63x64xf32, #tpu.memory_space<hbm>> -> memref<1x1x63x32xf32, #tpu.memory_space<hbm>>
    %dma_wait3A_1134 = tpu.memref_squeeze %dma_wait3A_1133 : memref<1x1x63x32xf32, #tpu.memory_space<hbm>> -> memref<63x32xf32, #tpu.memory_space<hbm>>
    %dma_wait3A_1135 = arith.constant 0 : i32
    %dma_wait3A_1136 = arith.constant 0 : i32
    %dma_wait3A_1137 = tpu.memref_slice %arg4[%dma_wait3A_1127, %dma_wait3A_1135, %dma_wait3A_1136] : memref<16x63x32xf32, #tpu.memory_space<vmem>> -> memref<1x63x32xf32, #tpu.memory_space<vmem>>
    %dma_wait3A_1138 = tpu.memref_squeeze %dma_wait3A_1137 : memref<1x63x32xf32, #tpu.memory_space<vmem>> -> memref<63x32xf32, #tpu.memory_space<vmem>>
    %dma_wait3A_1139 = arith.constant 0 : i32
    %dma_wait3A_1140 = tpu.memref_slice %arg2[%select_n3A_429, %select_n3A, %dma_wait3A_1139, %mul3A_455] : memref<8x16x63x64xf32, #tpu.memory_space<hbm>> -> memref<1x1x63x32xf32, #tpu.memory_space<hbm>>
    %dma_wait3A_1141 = tpu.memref_squeeze %dma_wait3A_1140 : memref<1x1x63x32xf32, #tpu.memory_space<hbm>> -> memref<63x32xf32, #tpu.memory_space<hbm>>
    tpu.wait_dma2 semaphore(%arg5 : memref<!tpu.dma_semaphore, #tpu.memory_space<semaphore_mem>>) src(%dma_wait3A_1141 : memref<63x32xf32, #tpu.memory_space<hbm>>) dst(%dma_wait3A_1138 : memref<63x32xf32, #tpu.memory_space<vmem>>)
    %dma_wait3A_1142 = arith.constant 7 : i32
    %dma_wait3A_1143 = arith.constant 0 : i32
    %dma_wait3A_1144 = arith.constant 0 : i32
    %dma_wait3A_1145 = tpu.memref_slice %arg4[%dma_wait3A_1142, %dma_wait3A_1143, %dma_wait3A_1144] : memref<16x63x32xf32, #tpu.memory_space<vmem>> -> memref<1x63x32xf32, #tpu.memory_space<vmem>>
    %dma_wait3A_1146 = tpu.memref_squeeze %dma_wait3A_1145 : memref<1x63x32xf32, #tpu.memory_space<vmem>> -> memref<63x32xf32, #tpu.memory_space<vmem>>
    %dma_wait3A_1147 = arith.constant 0 : i32
    %dma_wait3A_1148 = tpu.memref_slice %arg2[%select_n3A_492, %select_n3A, %dma_wait3A_1147, %mul3A_518] : memref<8x16x63x64xf32, #tpu.memory_space<hbm>> -> memref<1x1x63x32xf32, #tpu.memory_space<hbm>>
    %dma_wait3A_1149 = tpu.memref_squeeze %dma_wait3A_1148 : memref<1x1x63x32xf32, #tpu.memory_space<hbm>> -> memref<63x32xf32, #tpu.memory_space<hbm>>
    %dma_wait3A_1150 = arith.constant 0 : i32
    %dma_wait3A_1151 = arith.constant 0 : i32
    %dma_wait3A_1152 = tpu.memref_slice %arg4[%dma_wait3A_1142, %dma_wait3A_1150, %dma_wait3A_1151] : memref<16x63x32xf32, #tpu.memory_space<vmem>> -> memref<1x63x32xf32, #tpu.memory_space<vmem>>
    %dma_wait3A_1153 = tpu.memref_squeeze %dma_wait3A_1152 : memref<1x63x32xf32, #tpu.memory_space<vmem>> -> memref<63x32xf32, #tpu.memory_space<vmem>>
    %dma_wait3A_1154 = arith.constant 0 : i32
    %dma_wait3A_1155 = tpu.memref_slice %arg2[%select_n3A_492, %select_n3A, %dma_wait3A_1154, %mul3A_518] : memref<8x16x63x64xf32, #tpu.memory_space<hbm>> -> memref<1x1x63x32xf32, #tpu.memory_space<hbm>>
    %dma_wait3A_1156 = tpu.memref_squeeze %dma_wait3A_1155 : memref<1x1x63x32xf32, #tpu.memory_space<hbm>> -> memref<63x32xf32, #tpu.memory_space<hbm>>
    tpu.wait_dma2 semaphore(%arg5 : memref<!tpu.dma_semaphore, #tpu.memory_space<semaphore_mem>>) src(%dma_wait3A_1156 : memref<63x32xf32, #tpu.memory_space<hbm>>) dst(%dma_wait3A_1153 : memref<63x32xf32, #tpu.memory_space<vmem>>)
    %dma_wait3A_1157 = arith.constant 8 : i32
    %dma_wait3A_1158 = arith.constant 0 : i32
    %dma_wait3A_1159 = arith.constant 0 : i32
    %dma_wait3A_1160 = tpu.memref_slice %arg4[%dma_wait3A_1157, %dma_wait3A_1158, %dma_wait3A_1159] : memref<16x63x32xf32, #tpu.memory_space<vmem>> -> memref<1x63x32xf32, #tpu.memory_space<vmem>>
    %dma_wait3A_1161 = tpu.memref_squeeze %dma_wait3A_1160 : memref<1x63x32xf32, #tpu.memory_space<vmem>> -> memref<63x32xf32, #tpu.memory_space<vmem>>
    %dma_wait3A_1162 = arith.constant 0 : i32
    %dma_wait3A_1163 = tpu.memref_slice %arg2[%select_n3A_555, %select_n3A, %dma_wait3A_1162, %mul3A_581] : memref<8x16x63x64xf32, #tpu.memory_space<hbm>> -> memref<1x1x63x32xf32, #tpu.memory_space<hbm>>
    %dma_wait3A_1164 = tpu.memref_squeeze %dma_wait3A_1163 : memref<1x1x63x32xf32, #tpu.memory_space<hbm>> -> memref<63x32xf32, #tpu.memory_space<hbm>>
    %dma_wait3A_1165 = arith.constant 0 : i32
    %dma_wait3A_1166 = arith.constant 0 : i32
    %dma_wait3A_1167 = tpu.memref_slice %arg4[%dma_wait3A_1157, %dma_wait3A_1165, %dma_wait3A_1166] : memref<16x63x32xf32, #tpu.memory_space<vmem>> -> memref<1x63x32xf32, #tpu.memory_space<vmem>>
    %dma_wait3A_1168 = tpu.memref_squeeze %dma_wait3A_1167 : memref<1x63x32xf32, #tpu.memory_space<vmem>> -> memref<63x32xf32, #tpu.memory_space<vmem>>
    %dma_wait3A_1169 = arith.constant 0 : i32
    %dma_wait3A_1170 = tpu.memref_slice %arg2[%select_n3A_555, %select_n3A, %dma_wait3A_1169, %mul3A_581] : memref<8x16x63x64xf32, #tpu.memory_space<hbm>> -> memref<1x1x63x32xf32, #tpu.memory_space<hbm>>
    %dma_wait3A_1171 = tpu.memref_squeeze %dma_wait3A_1170 : memref<1x1x63x32xf32, #tpu.memory_space<hbm>> -> memref<63x32xf32, #tpu.memory_space<hbm>>
    tpu.wait_dma2 semaphore(%arg5 : memref<!tpu.dma_semaphore, #tpu.memory_space<semaphore_mem>>) src(%dma_wait3A_1171 : memref<63x32xf32, #tpu.memory_space<hbm>>) dst(%dma_wait3A_1168 : memref<63x32xf32, #tpu.memory_space<vmem>>)
    %dma_wait3A_1172 = arith.constant 9 : i32
    %dma_wait3A_1173 = arith.constant 0 : i32
    %dma_wait3A_1174 = arith.constant 0 : i32
    %dma_wait3A_1175 = tpu.memref_slice %arg4[%dma_wait3A_1172, %dma_wait3A_1173, %dma_wait3A_1174] : memref<16x63x32xf32, #tpu.memory_space<vmem>> -> memref<1x63x32xf32, #tpu.memory_space<vmem>>
    %dma_wait3A_1176 = tpu.memref_squeeze %dma_wait3A_1175 : memref<1x63x32xf32, #tpu.memory_space<vmem>> -> memref<63x32xf32, #tpu.memory_space<vmem>>
    %dma_wait3A_1177 = arith.constant 0 : i32
    %dma_wait3A_1178 = tpu.memref_slice %arg2[%select_n3A_618, %select_n3A, %dma_wait3A_1177, %mul3A_644] : memref<8x16x63x64xf32, #tpu.memory_space<hbm>> -> memref<1x1x63x32xf32, #tpu.memory_space<hbm>>
    %dma_wait3A_1179 = tpu.memref_squeeze %dma_wait3A_1178 : memref<1x1x63x32xf32, #tpu.memory_space<hbm>> -> memref<63x32xf32, #tpu.memory_space<hbm>>
    %dma_wait3A_1180 = arith.constant 0 : i32
    %dma_wait3A_1181 = arith.constant 0 : i32
    %dma_wait3A_1182 = tpu.memref_slice %arg4[%dma_wait3A_1172, %dma_wait3A_1180, %dma_wait3A_1181] : memref<16x63x32xf32, #tpu.memory_space<vmem>> -> memref<1x63x32xf32, #tpu.memory_space<vmem>>
    %dma_wait3A_1183 = tpu.memref_squeeze %dma_wait3A_1182 : memref<1x63x32xf32, #tpu.memory_space<vmem>> -> memref<63x32xf32, #tpu.memory_space<vmem>>
    %dma_wait3A_1184 = arith.constant 0 : i32
    %dma_wait3A_1185 = tpu.memref_slice %arg2[%select_n3A_618, %select_n3A, %dma_wait3A_1184, %mul3A_644] : memref<8x16x63x64xf32, #tpu.memory_space<hbm>> -> memref<1x1x63x32xf32, #tpu.memory_space<hbm>>
    %dma_wait3A_1186 = tpu.memref_squeeze %dma_wait3A_1185 : memref<1x1x63x32xf32, #tpu.memory_space<hbm>> -> memref<63x32xf32, #tpu.memory_space<hbm>>
    tpu.wait_dma2 semaphore(%arg5 : memref<!tpu.dma_semaphore, #tpu.memory_space<semaphore_mem>>) src(%dma_wait3A_1186 : memref<63x32xf32, #tpu.memory_space<hbm>>) dst(%dma_wait3A_1183 : memref<63x32xf32, #tpu.memory_space<vmem>>)
    %dma_wait3A_1187 = arith.constant 10 : i32
    %dma_wait3A_1188 = arith.constant 0 : i32
    %dma_wait3A_1189 = arith.constant 0 : i32
    %dma_wait3A_1190 = tpu.memref_slice %arg4[%dma_wait3A_1187, %dma_wait3A_1188, %dma_wait3A_1189] : memref<16x63x32xf32, #tpu.memory_space<vmem>> -> memref<1x63x32xf32, #tpu.memory_space<vmem>>
    %dma_wait3A_1191 = tpu.memref_squeeze %dma_wait3A_1190 : memref<1x63x32xf32, #tpu.memory_space<vmem>> -> memref<63x32xf32, #tpu.memory_space<vmem>>
    %dma_wait3A_1192 = arith.constant 0 : i32
    %dma_wait3A_1193 = tpu.memref_slice %arg2[%select_n3A_681, %select_n3A, %dma_wait3A_1192, %mul3A_707] : memref<8x16x63x64xf32, #tpu.memory_space<hbm>> -> memref<1x1x63x32xf32, #tpu.memory_space<hbm>>
    %dma_wait3A_1194 = tpu.memref_squeeze %dma_wait3A_1193 : memref<1x1x63x32xf32, #tpu.memory_space<hbm>> -> memref<63x32xf32, #tpu.memory_space<hbm>>
    %dma_wait3A_1195 = arith.constant 0 : i32
    %dma_wait3A_1196 = arith.constant 0 : i32
    %dma_wait3A_1197 = tpu.memref_slice %arg4[%dma_wait3A_1187, %dma_wait3A_1195, %dma_wait3A_1196] : memref<16x63x32xf32, #tpu.memory_space<vmem>> -> memref<1x63x32xf32, #tpu.memory_space<vmem>>
    %dma_wait3A_1198 = tpu.memref_squeeze %dma_wait3A_1197 : memref<1x63x32xf32, #tpu.memory_space<vmem>> -> memref<63x32xf32, #tpu.memory_space<vmem>>
    %dma_wait3A_1199 = arith.constant 0 : i32
    %dma_wait3A_1200 = tpu.memref_slice %arg2[%select_n3A_681, %select_n3A, %dma_wait3A_1199, %mul3A_707] : memref<8x16x63x64xf32, #tpu.memory_space<hbm>> -> memref<1x1x63x32xf32, #tpu.memory_space<hbm>>
    %dma_wait3A_1201 = tpu.memref_squeeze %dma_wait3A_1200 : memref<1x1x63x32xf32, #tpu.memory_space<hbm>> -> memref<63x32xf32, #tpu.memory_space<hbm>>
    tpu.wait_dma2 semaphore(%arg5 : memref<!tpu.dma_semaphore, #tpu.memory_space<semaphore_mem>>) src(%dma_wait3A_1201 : memref<63x32xf32, #tpu.memory_space<hbm>>) dst(%dma_wait3A_1198 : memref<63x32xf32, #tpu.memory_space<vmem>>)
    %dma_wait3A_1202 = arith.constant 11 : i32
    %dma_wait3A_1203 = arith.constant 0 : i32
    %dma_wait3A_1204 = arith.constant 0 : i32
    %dma_wait3A_1205 = tpu.memref_slice %arg4[%dma_wait3A_1202, %dma_wait3A_1203, %dma_wait3A_1204] : memref<16x63x32xf32, #tpu.memory_space<vmem>> -> memref<1x63x32xf32, #tpu.memory_space<vmem>>
    %dma_wait3A_1206 = tpu.memref_squeeze %dma_wait3A_1205 : memref<1x63x32xf32, #tpu.memory_space<vmem>> -> memref<63x32xf32, #tpu.memory_space<vmem>>
    %dma_wait3A_1207 = arith.constant 0 : i32
    %dma_wait3A_1208 = tpu.memref_slice %arg2[%select_n3A_744, %select_n3A, %dma_wait3A_1207, %mul3A_770] : memref<8x16x63x64xf32, #tpu.memory_space<hbm>> -> memref<1x1x63x32xf32, #tpu.memory_space<hbm>>
    %dma_wait3A_1209 = tpu.memref_squeeze %dma_wait3A_1208 : memref<1x1x63x32xf32, #tpu.memory_space<hbm>> -> memref<63x32xf32, #tpu.memory_space<hbm>>
    %dma_wait3A_1210 = arith.constant 0 : i32
    %dma_wait3A_1211 = arith.constant 0 : i32
    %dma_wait3A_1212 = tpu.memref_slice %arg4[%dma_wait3A_1202, %dma_wait3A_1210, %dma_wait3A_1211] : memref<16x63x32xf32, #tpu.memory_space<vmem>> -> memref<1x63x32xf32, #tpu.memory_space<vmem>>
    %dma_wait3A_1213 = tpu.memref_squeeze %dma_wait3A_1212 : memref<1x63x32xf32, #tpu.memory_space<vmem>> -> memref<63x32xf32, #tpu.memory_space<vmem>>
    %dma_wait3A_1214 = arith.constant 0 : i32
    %dma_wait3A_1215 = tpu.memref_slice %arg2[%select_n3A_744, %select_n3A, %dma_wait3A_1214, %mul3A_770] : memref<8x16x63x64xf32, #tpu.memory_space<hbm>> -> memref<1x1x63x32xf32, #tpu.memory_space<hbm>>
    %dma_wait3A_1216 = tpu.memref_squeeze %dma_wait3A_1215 : memref<1x1x63x32xf32, #tpu.memory_space<hbm>> -> memref<63x32xf32, #tpu.memory_space<hbm>>
    tpu.wait_dma2 semaphore(%arg5 : memref<!tpu.dma_semaphore, #tpu.memory_space<semaphore_mem>>) src(%dma_wait3A_1216 : memref<63x32xf32, #tpu.memory_space<hbm>>) dst(%dma_wait3A_1213 : memref<63x32xf32, #tpu.memory_space<vmem>>)
    %dma_wait3A_1217 = arith.constant 12 : i32
    %dma_wait3A_1218 = arith.constant 0 : i32
    %dma_wait3A_1219 = arith.constant 0 : i32
    %dma_wait3A_1220 = tpu.memref_slice %arg4[%dma_wait3A_1217, %dma_wait3A_1218, %dma_wait3A_1219] : memref<16x63x32xf32, #tpu.memory_space<vmem>> -> memref<1x63x32xf32, #tpu.memory_space<vmem>>
    %dma_wait3A_1221 = tpu.memref_squeeze %dma_wait3A_1220 : memref<1x63x32xf32, #tpu.memory_space<vmem>> -> memref<63x32xf32, #tpu.memory_space<vmem>>
    %dma_wait3A_1222 = arith.constant 0 : i32
    %dma_wait3A_1223 = tpu.memref_slice %arg2[%select_n3A_807, %select_n3A, %dma_wait3A_1222, %mul3A_833] : memref<8x16x63x64xf32, #tpu.memory_space<hbm>> -> memref<1x1x63x32xf32, #tpu.memory_space<hbm>>
    %dma_wait3A_1224 = tpu.memref_squeeze %dma_wait3A_1223 : memref<1x1x63x32xf32, #tpu.memory_space<hbm>> -> memref<63x32xf32, #tpu.memory_space<hbm>>
    %dma_wait3A_1225 = arith.constant 0 : i32
    %dma_wait3A_1226 = arith.constant 0 : i32
    %dma_wait3A_1227 = tpu.memref_slice %arg4[%dma_wait3A_1217, %dma_wait3A_1225, %dma_wait3A_1226] : memref<16x63x32xf32, #tpu.memory_space<vmem>> -> memref<1x63x32xf32, #tpu.memory_space<vmem>>
    %dma_wait3A_1228 = tpu.memref_squeeze %dma_wait3A_1227 : memref<1x63x32xf32, #tpu.memory_space<vmem>> -> memref<63x32xf32, #tpu.memory_space<vmem>>
    %dma_wait3A_1229 = arith.constant 0 : i32
    %dma_wait3A_1230 = tpu.memref_slice %arg2[%select_n3A_807, %select_n3A, %dma_wait3A_1229, %mul3A_833] : memref<8x16x63x64xf32, #tpu.memory_space<hbm>> -> memref<1x1x63x32xf32, #tpu.memory_space<hbm>>
    %dma_wait3A_1231 = tpu.memref_squeeze %dma_wait3A_1230 : memref<1x1x63x32xf32, #tpu.memory_space<hbm>> -> memref<63x32xf32, #tpu.memory_space<hbm>>
    tpu.wait_dma2 semaphore(%arg5 : memref<!tpu.dma_semaphore, #tpu.memory_space<semaphore_mem>>) src(%dma_wait3A_1231 : memref<63x32xf32, #tpu.memory_space<hbm>>) dst(%dma_wait3A_1228 : memref<63x32xf32, #tpu.memory_space<vmem>>)
    %dma_wait3A_1232 = arith.constant 13 : i32
    %dma_wait3A_1233 = arith.constant 0 : i32
    %dma_wait3A_1234 = arith.constant 0 : i32
    %dma_wait3A_1235 = tpu.memref_slice %arg4[%dma_wait3A_1232, %dma_wait3A_1233, %dma_wait3A_1234] : memref<16x63x32xf32, #tpu.memory_space<vmem>> -> memref<1x63x32xf32, #tpu.memory_space<vmem>>
    %dma_wait3A_1236 = tpu.memref_squeeze %dma_wait3A_1235 : memref<1x63x32xf32, #tpu.memory_space<vmem>> -> memref<63x32xf32, #tpu.memory_space<vmem>>
    %dma_wait3A_1237 = arith.constant 0 : i32
    %dma_wait3A_1238 = tpu.memref_slice %arg2[%select_n3A_870, %select_n3A, %dma_wait3A_1237, %mul3A_896] : memref<8x16x63x64xf32, #tpu.memory_space<hbm>> -> memref<1x1x63x32xf32, #tpu.memory_space<hbm>>
    %dma_wait3A_1239 = tpu.memref_squeeze %dma_wait3A_1238 : memref<1x1x63x32xf32, #tpu.memory_space<hbm>> -> memref<63x32xf32, #tpu.memory_space<hbm>>
    %dma_wait3A_1240 = arith.constant 0 : i32
    %dma_wait3A_1241 = arith.constant 0 : i32
    %dma_wait3A_1242 = tpu.memref_slice %arg4[%dma_wait3A_1232, %dma_wait3A_1240, %dma_wait3A_1241] : memref<16x63x32xf32, #tpu.memory_space<vmem>> -> memref<1x63x32xf32, #tpu.memory_space<vmem>>
    %dma_wait3A_1243 = tpu.memref_squeeze %dma_wait3A_1242 : memref<1x63x32xf32, #tpu.memory_space<vmem>> -> memref<63x32xf32, #tpu.memory_space<vmem>>
    %dma_wait3A_1244 = arith.constant 0 : i32
    %dma_wait3A_1245 = tpu.memref_slice %arg2[%select_n3A_870, %select_n3A, %dma_wait3A_1244, %mul3A_896] : memref<8x16x63x64xf32, #tpu.memory_space<hbm>> -> memref<1x1x63x32xf32, #tpu.memory_space<hbm>>
    %dma_wait3A_1246 = tpu.memref_squeeze %dma_wait3A_1245 : memref<1x1x63x32xf32, #tpu.memory_space<hbm>> -> memref<63x32xf32, #tpu.memory_space<hbm>>
    tpu.wait_dma2 semaphore(%arg5 : memref<!tpu.dma_semaphore, #tpu.memory_space<semaphore_mem>>) src(%dma_wait3A_1246 : memref<63x32xf32, #tpu.memory_space<hbm>>) dst(%dma_wait3A_1243 : memref<63x32xf32, #tpu.memory_space<vmem>>)
    %dma_wait3A_1247 = arith.constant 14 : i32
    %dma_wait3A_1248 = arith.constant 0 : i32
    %dma_wait3A_1249 = arith.constant 0 : i32
    %dma_wait3A_1250 = tpu.memref_slice %arg4[%dma_wait3A_1247, %dma_wait3A_1248, %dma_wait3A_1249] : memref<16x63x32xf32, #tpu.memory_space<vmem>> -> memref<1x63x32xf32, #tpu.memory_space<vmem>>
    %dma_wait3A_1251 = tpu.memref_squeeze %dma_wait3A_1250 : memref<1x63x32xf32, #tpu.memory_space<vmem>> -> memref<63x32xf32, #tpu.memory_space<vmem>>
    %dma_wait3A_1252 = arith.constant 0 : i32
    %dma_wait3A_1253 = tpu.memref_slice %arg2[%select_n3A_933, %select_n3A, %dma_wait3A_1252, %mul3A_959] : memref<8x16x63x64xf32, #tpu.memory_space<hbm>> -> memref<1x1x63x32xf32, #tpu.memory_space<hbm>>
    %dma_wait3A_1254 = tpu.memref_squeeze %dma_wait3A_1253 : memref<1x1x63x32xf32, #tpu.memory_space<hbm>> -> memref<63x32xf32, #tpu.memory_space<hbm>>
    %dma_wait3A_1255 = arith.constant 0 : i32
    %dma_wait3A_1256 = arith.constant 0 : i32
    %dma_wait3A_1257 = tpu.memref_slice %arg4[%dma_wait3A_1247, %dma_wait3A_1255, %dma_wait3A_1256] : memref<16x63x32xf32, #tpu.memory_space<vmem>> -> memref<1x63x32xf32, #tpu.memory_space<vmem>>
    %dma_wait3A_1258 = tpu.memref_squeeze %dma_wait3A_1257 : memref<1x63x32xf32, #tpu.memory_space<vmem>> -> memref<63x32xf32, #tpu.memory_space<vmem>>
    %dma_wait3A_1259 = arith.constant 0 : i32
    %dma_wait3A_1260 = tpu.memref_slice %arg2[%select_n3A_933, %select_n3A, %dma_wait3A_1259, %mul3A_959] : memref<8x16x63x64xf32, #tpu.memory_space<hbm>> -> memref<1x1x63x32xf32, #tpu.memory_space<hbm>>
    %dma_wait3A_1261 = tpu.memref_squeeze %dma_wait3A_1260 : memref<1x1x63x32xf32, #tpu.memory_space<hbm>> -> memref<63x32xf32, #tpu.memory_space<hbm>>
    tpu.wait_dma2 semaphore(%arg5 : memref<!tpu.dma_semaphore, #tpu.memory_space<semaphore_mem>>) src(%dma_wait3A_1261 : memref<63x32xf32, #tpu.memory_space<hbm>>) dst(%dma_wait3A_1258 : memref<63x32xf32, #tpu.memory_space<vmem>>)
    %dma_wait3A_1262 = arith.constant 15 : i32
    %dma_wait3A_1263 = arith.constant 0 : i32
    %dma_wait3A_1264 = arith.constant 0 : i32
    %dma_wait3A_1265 = tpu.memref_slice %arg4[%dma_wait3A_1262, %dma_wait3A_1263, %dma_wait3A_1264] : memref<16x63x32xf32, #tpu.memory_space<vmem>> -> memref<1x63x32xf32, #tpu.memory_space<vmem>>
    %dma_wait3A_1266 = tpu.memref_squeeze %dma_wait3A_1265 : memref<1x63x32xf32, #tpu.memory_space<vmem>> -> memref<63x32xf32, #tpu.memory_space<vmem>>
    %dma_wait3A_1267 = arith.constant 0 : i32
    %dma_wait3A_1268 = tpu.memref_slice %arg2[%select_n3A_996, %select_n3A, %dma_wait3A_1267, %mul3A_1022] : memref<8x16x63x64xf32, #tpu.memory_space<hbm>> -> memref<1x1x63x32xf32, #tpu.memory_space<hbm>>
    %dma_wait3A_1269 = tpu.memref_squeeze %dma_wait3A_1268 : memref<1x1x63x32xf32, #tpu.memory_space<hbm>> -> memref<63x32xf32, #tpu.memory_space<hbm>>
    %dma_wait3A_1270 = arith.constant 0 : i32
    %dma_wait3A_1271 = arith.constant 0 : i32
    %dma_wait3A_1272 = tpu.memref_slice %arg4[%dma_wait3A_1262, %dma_wait3A_1270, %dma_wait3A_1271] : memref<16x63x32xf32, #tpu.memory_space<vmem>> -> memref<1x63x32xf32, #tpu.memory_space<vmem>>
    %dma_wait3A_1273 = tpu.memref_squeeze %dma_wait3A_1272 : memref<1x63x32xf32, #tpu.memory_space<vmem>> -> memref<63x32xf32, #tpu.memory_space<vmem>>
    %dma_wait3A_1274 = arith.constant 0 : i32
    %dma_wait3A_1275 = tpu.memref_slice %arg2[%select_n3A_996, %select_n3A, %dma_wait3A_1274, %mul3A_1022] : memref<8x16x63x64xf32, #tpu.memory_space<hbm>> -> memref<1x1x63x32xf32, #tpu.memory_space<hbm>>
    %dma_wait3A_1276 = tpu.memref_squeeze %dma_wait3A_1275 : memref<1x1x63x32xf32, #tpu.memory_space<hbm>> -> memref<63x32xf32, #tpu.memory_space<hbm>>
    tpu.wait_dma2 semaphore(%arg5 : memref<!tpu.dma_semaphore, #tpu.memory_space<semaphore_mem>>) src(%dma_wait3A_1276 : memref<63x32xf32, #tpu.memory_space<hbm>>) dst(%dma_wait3A_1273 : memref<63x32xf32, #tpu.memory_space<vmem>>)
    %mul3A_1277 = arith.constant 16 : i32
    %mul3A_1278 = arith.muli %select_n3A_30, %mul3A_1277 : i32
    "tpu.region"() ({
      %run_scoped3A = tpu.sem_alloc : memref<!tpu.dma_semaphore, #tpu.memory_space<semaphore_mem>>
      %dma_start3A_1279 = arith.constant 0 : i32
      %dma_start3A_1280 = arith.constant 0 : i32
      %dma_start3A_1281 = tpu.memref_slice %arg3[%select_n3A, %mul3A_1278, %dma_start3A_1279, %dma_start3A_1280] : memref<16x32x63x32xf32, #tpu.memory_space<hbm>> -> memref<1x16x63x32xf32, #tpu.memory_space<hbm>>
      %dma_start3A_1282 = tpu.memref_squeeze %dma_start3A_1281 : memref<1x16x63x32xf32, #tpu.memory_space<hbm>> -> memref<16x63x32xf32, #tpu.memory_space<hbm>>
      %dma_start3A_1283 = arith.constant 0 : i32
      %dma_start3A_1284 = arith.constant 0 : i32
      %dma_start3A_1285 = tpu.memref_slice %arg3[%select_n3A, %mul3A_1278, %dma_start3A_1283, %dma_start3A_1284] : memref<16x32x63x32xf32, #tpu.memory_space<hbm>> -> memref<1x16x63x32xf32, #tpu.memory_space<hbm>>
      %dma_start3A_1286 = tpu.memref_squeeze %dma_start3A_1285 : memref<1x16x63x32xf32, #tpu.memory_space<hbm>> -> memref<16x63x32xf32, #tpu.memory_space<hbm>>
      tpu.enqueue_dma source(%arg4 : memref<16x63x32xf32, #tpu.memory_space<vmem>>) target(%dma_start3A_1286 : memref<16x63x32xf32, #tpu.memory_space<hbm>>) target_semaphore(%run_scoped3A : memref<!tpu.dma_semaphore, #tpu.memory_space<semaphore_mem>>)
      %dma_wait3A_1287 = arith.constant 0 : i32
      %dma_wait3A_1288 = arith.constant 0 : i32
      %dma_wait3A_1289 = tpu.memref_slice %arg3[%select_n3A, %mul3A_1278, %dma_wait3A_1287, %dma_wait3A_1288] : memref<16x32x63x32xf32, #tpu.memory_space<hbm>> -> memref<1x16x63x32xf32, #tpu.memory_space<hbm>>
      %dma_wait3A_1290 = tpu.memref_squeeze %dma_wait3A_1289 : memref<1x16x63x32xf32, #tpu.memory_space<hbm>> -> memref<16x63x32xf32, #tpu.memory_space<hbm>>
      %dma_wait3A_1291 = arith.constant 0 : i32
      %dma_wait3A_1292 = arith.constant 0 : i32
      %dma_wait3A_1293 = tpu.memref_slice %arg3[%select_n3A, %mul3A_1278, %dma_wait3A_1291, %dma_wait3A_1292] : memref<16x32x63x32xf32, #tpu.memory_space<hbm>> -> memref<1x16x63x32xf32, #tpu.memory_space<hbm>>
      %dma_wait3A_1294 = tpu.memref_squeeze %dma_wait3A_1293 : memref<1x16x63x32xf32, #tpu.memory_space<hbm>> -> memref<16x63x32xf32, #tpu.memory_space<hbm>>
      tpu.wait_dma2 semaphore(%run_scoped3A : memref<!tpu.dma_semaphore, #tpu.memory_space<semaphore_mem>>) src(%arg4 : memref<16x63x32xf32, #tpu.memory_space<vmem>>) dst(%dma_wait3A_1294 : memref<16x63x32xf32, #tpu.memory_space<hbm>>)
      tpu.yield
    }) : () -> ()
    return
  }
}

module attributes {stable_mosaic.version = 14 : i64} {
  func.func @_replicate_body(%arg0: i32, %arg1: memref<1x32x2016xf32, #tpu.memory_space<vmem>>, %arg2: memref<1x1024x1024xf32, #tpu.memory_space<vmem>>) attributes {dimension_semantics = [#tpu.dimension_semantics<arbitrary>], iteration_bounds = array<i64: 16>, scalar_prefetch = 0 : i64, scratch_operands = 0 : i64, tpu.core_type = #tpu.core_type<tc>, window_params = [{transform_indices = @transform_0, window_bounds = array<i64: 1, 32, 2016>}, {transform_indices = @transform_1, window_bounds = array<i64: 1, 1024, 1024>}]} {
    %get3A = arith.constant 0 : index
    %get3A_0 = arith.constant 0 : index
    %get3A_1 = arith.constant 992 : index
    %get3A_2 = vector.load %arg1[%get3A, %get3A_0, %get3A_1] : memref<1x32x2016xf32, #tpu.memory_space<vmem>>, vector<1x32x1024xf32>
    %get3A_3 = vector.shape_cast %get3A_2 : vector<1x32x1024xf32> to vector<32x1024xf32>
    %swap3A = arith.constant 0 : index
    %swap3A_4 = arith.constant 0 : index
    %swap3A_5 = arith.constant 0 : index
    %swap3A_6 = vector.load %arg2[%swap3A, %swap3A_4, %swap3A_5] : memref<1x1024x1024xf32, #tpu.memory_space<vmem>>, vector<1x32x1024xf32>
    %swap3A_7 = vector.shape_cast %swap3A_6 : vector<1x32x1024xf32> to vector<32x1024xf32>
    %swap3A_8 = vector.shape_cast %get3A_3 : vector<32x1024xf32> to vector<1x32x1024xf32>
    tpu.vector_store %arg2[%swap3A, %swap3A_4, %swap3A_5], %swap3A_8 {strides = array<i32>} : memref<1x1024x1024xf32, #tpu.memory_space<vmem>>, vector<1x32x1024xf32>,
    %get3A_9 = arith.constant 0 : index
    %get3A_10 = arith.constant 0 : index
    %get3A_11 = arith.constant 960 : index
    %get3A_12 = vector.load %arg1[%get3A_9, %get3A_10, %get3A_11] : memref<1x32x2016xf32, #tpu.memory_space<vmem>>, vector<1x32x1024xf32>
    %get3A_13 = vector.shape_cast %get3A_12 : vector<1x32x1024xf32> to vector<32x1024xf32>
    %swap3A_14 = arith.constant 0 : index
    %swap3A_15 = arith.constant 32 : index
    %swap3A_16 = arith.constant 0 : index
    %swap3A_17 = vector.load %arg2[%swap3A_14, %swap3A_15, %swap3A_16] : memref<1x1024x1024xf32, #tpu.memory_space<vmem>>, vector<1x32x1024xf32>
    %swap3A_18 = vector.shape_cast %swap3A_17 : vector<1x32x1024xf32> to vector<32x1024xf32>
    %swap3A_19 = vector.shape_cast %get3A_13 : vector<32x1024xf32> to vector<1x32x1024xf32>
    tpu.vector_store %arg2[%swap3A_14, %swap3A_15, %swap3A_16], %swap3A_19 {strides = array<i32>} : memref<1x1024x1024xf32, #tpu.memory_space<vmem>>, vector<1x32x1024xf32>,
    %get3A_20 = arith.constant 0 : index
    %get3A_21 = arith.constant 0 : index
    %get3A_22 = arith.constant 928 : index
    %get3A_23 = vector.load %arg1[%get3A_20, %get3A_21, %get3A_22] : memref<1x32x2016xf32, #tpu.memory_space<vmem>>, vector<1x32x1024xf32>
    %get3A_24 = vector.shape_cast %get3A_23 : vector<1x32x1024xf32> to vector<32x1024xf32>
    %swap3A_25 = arith.constant 0 : index
    %swap3A_26 = arith.constant 64 : index
    %swap3A_27 = arith.constant 0 : index
    %swap3A_28 = vector.load %arg2[%swap3A_25, %swap3A_26, %swap3A_27] : memref<1x1024x1024xf32, #tpu.memory_space<vmem>>, vector<1x32x1024xf32>
    %swap3A_29 = vector.shape_cast %swap3A_28 : vector<1x32x1024xf32> to vector<32x1024xf32>
    %swap3A_30 = vector.shape_cast %get3A_24 : vector<32x1024xf32> to vector<1x32x1024xf32>
    tpu.vector_store %arg2[%swap3A_25, %swap3A_26, %swap3A_27], %swap3A_30 {strides = array<i32>} : memref<1x1024x1024xf32, #tpu.memory_space<vmem>>, vector<1x32x1024xf32>,
    %get3A_31 = arith.constant 0 : index
    %get3A_32 = arith.constant 0 : index
    %get3A_33 = arith.constant 896 : index
    %get3A_34 = vector.load %arg1[%get3A_31, %get3A_32, %get3A_33] : memref<1x32x2016xf32, #tpu.memory_space<vmem>>, vector<1x32x1024xf32>
    %get3A_35 = vector.shape_cast %get3A_34 : vector<1x32x1024xf32> to vector<32x1024xf32>
    %swap3A_36 = arith.constant 0 : index
    %swap3A_37 = arith.constant 96 : index
    %swap3A_38 = arith.constant 0 : index
    %swap3A_39 = vector.load %arg2[%swap3A_36, %swap3A_37, %swap3A_38] : memref<1x1024x1024xf32, #tpu.memory_space<vmem>>, vector<1x32x1024xf32>
    %swap3A_40 = vector.shape_cast %swap3A_39 : vector<1x32x1024xf32> to vector<32x1024xf32>
    %swap3A_41 = vector.shape_cast %get3A_35 : vector<32x1024xf32> to vector<1x32x1024xf32>
    tpu.vector_store %arg2[%swap3A_36, %swap3A_37, %swap3A_38], %swap3A_41 {strides = array<i32>} : memref<1x1024x1024xf32, #tpu.memory_space<vmem>>, vector<1x32x1024xf32>,
    %get3A_42 = arith.constant 0 : index
    %get3A_43 = arith.constant 0 : index
    %get3A_44 = arith.constant 864 : index
    %get3A_45 = vector.load %arg1[%get3A_42, %get3A_43, %get3A_44] : memref<1x32x2016xf32, #tpu.memory_space<vmem>>, vector<1x32x1024xf32>
    %get3A_46 = vector.shape_cast %get3A_45 : vector<1x32x1024xf32> to vector<32x1024xf32>
    %swap3A_47 = arith.constant 0 : index
    %swap3A_48 = arith.constant 128 : index
    %swap3A_49 = arith.constant 0 : index
    %swap3A_50 = vector.load %arg2[%swap3A_47, %swap3A_48, %swap3A_49] : memref<1x1024x1024xf32, #tpu.memory_space<vmem>>, vector<1x32x1024xf32>
    %swap3A_51 = vector.shape_cast %swap3A_50 : vector<1x32x1024xf32> to vector<32x1024xf32>
    %swap3A_52 = vector.shape_cast %get3A_46 : vector<32x1024xf32> to vector<1x32x1024xf32>
    tpu.vector_store %arg2[%swap3A_47, %swap3A_48, %swap3A_49], %swap3A_52 {strides = array<i32>} : memref<1x1024x1024xf32, #tpu.memory_space<vmem>>, vector<1x32x1024xf32>,
    %get3A_53 = arith.constant 0 : index
    %get3A_54 = arith.constant 0 : index
    %get3A_55 = arith.constant 832 : index
    %get3A_56 = vector.load %arg1[%get3A_53, %get3A_54, %get3A_55] : memref<1x32x2016xf32, #tpu.memory_space<vmem>>, vector<1x32x1024xf32>
    %get3A_57 = vector.shape_cast %get3A_56 : vector<1x32x1024xf32> to vector<32x1024xf32>
    %swap3A_58 = arith.constant 0 : index
    %swap3A_59 = arith.constant 160 : index
    %swap3A_60 = arith.constant 0 : index
    %swap3A_61 = vector.load %arg2[%swap3A_58, %swap3A_59, %swap3A_60] : memref<1x1024x1024xf32, #tpu.memory_space<vmem>>, vector<1x32x1024xf32>
    %swap3A_62 = vector.shape_cast %swap3A_61 : vector<1x32x1024xf32> to vector<32x1024xf32>
    %swap3A_63 = vector.shape_cast %get3A_57 : vector<32x1024xf32> to vector<1x32x1024xf32>
    tpu.vector_store %arg2[%swap3A_58, %swap3A_59, %swap3A_60], %swap3A_63 {strides = array<i32>} : memref<1x1024x1024xf32, #tpu.memory_space<vmem>>, vector<1x32x1024xf32>,
    %get3A_64 = arith.constant 0 : index
    %get3A_65 = arith.constant 0 : index
    %get3A_66 = arith.constant 800 : index
    %get3A_67 = vector.load %arg1[%get3A_64, %get3A_65, %get3A_66] : memref<1x32x2016xf32, #tpu.memory_space<vmem>>, vector<1x32x1024xf32>
    %get3A_68 = vector.shape_cast %get3A_67 : vector<1x32x1024xf32> to vector<32x1024xf32>
    %swap3A_69 = arith.constant 0 : index
    %swap3A_70 = arith.constant 192 : index
    %swap3A_71 = arith.constant 0 : index
    %swap3A_72 = vector.load %arg2[%swap3A_69, %swap3A_70, %swap3A_71] : memref<1x1024x1024xf32, #tpu.memory_space<vmem>>, vector<1x32x1024xf32>
    %swap3A_73 = vector.shape_cast %swap3A_72 : vector<1x32x1024xf32> to vector<32x1024xf32>
    %swap3A_74 = vector.shape_cast %get3A_68 : vector<32x1024xf32> to vector<1x32x1024xf32>
    tpu.vector_store %arg2[%swap3A_69, %swap3A_70, %swap3A_71], %swap3A_74 {strides = array<i32>} : memref<1x1024x1024xf32, #tpu.memory_space<vmem>>, vector<1x32x1024xf32>,
    %get3A_75 = arith.constant 0 : index
    %get3A_76 = arith.constant 0 : index
    %get3A_77 = arith.constant 768 : index
    %get3A_78 = vector.load %arg1[%get3A_75, %get3A_76, %get3A_77] : memref<1x32x2016xf32, #tpu.memory_space<vmem>>, vector<1x32x1024xf32>
    %get3A_79 = vector.shape_cast %get3A_78 : vector<1x32x1024xf32> to vector<32x1024xf32>
    %swap3A_80 = arith.constant 0 : index
    %swap3A_81 = arith.constant 224 : index
    %swap3A_82 = arith.constant 0 : index
    %swap3A_83 = vector.load %arg2[%swap3A_80, %swap3A_81, %swap3A_82] : memref<1x1024x1024xf32, #tpu.memory_space<vmem>>, vector<1x32x1024xf32>
    %swap3A_84 = vector.shape_cast %swap3A_83 : vector<1x32x1024xf32> to vector<32x1024xf32>
    %swap3A_85 = vector.shape_cast %get3A_79 : vector<32x1024xf32> to vector<1x32x1024xf32>
    tpu.vector_store %arg2[%swap3A_80, %swap3A_81, %swap3A_82], %swap3A_85 {strides = array<i32>} : memref<1x1024x1024xf32, #tpu.memory_space<vmem>>, vector<1x32x1024xf32>,
    %get3A_86 = arith.constant 0 : index
    %get3A_87 = arith.constant 0 : index
    %get3A_88 = arith.constant 736 : index
    %get3A_89 = vector.load %arg1[%get3A_86, %get3A_87, %get3A_88] : memref<1x32x2016xf32, #tpu.memory_space<vmem>>, vector<1x32x1024xf32>
    %get3A_90 = vector.shape_cast %get3A_89 : vector<1x32x1024xf32> to vector<32x1024xf32>
    %swap3A_91 = arith.constant 0 : index
    %swap3A_92 = arith.constant 256 : index
    %swap3A_93 = arith.constant 0 : index
    %swap3A_94 = vector.load %arg2[%swap3A_91, %swap3A_92, %swap3A_93] : memref<1x1024x1024xf32, #tpu.memory_space<vmem>>, vector<1x32x1024xf32>
    %swap3A_95 = vector.shape_cast %swap3A_94 : vector<1x32x1024xf32> to vector<32x1024xf32>
    %swap3A_96 = vector.shape_cast %get3A_90 : vector<32x1024xf32> to vector<1x32x1024xf32>
    tpu.vector_store %arg2[%swap3A_91, %swap3A_92, %swap3A_93], %swap3A_96 {strides = array<i32>} : memref<1x1024x1024xf32, #tpu.memory_space<vmem>>, vector<1x32x1024xf32>,
    %get3A_97 = arith.constant 0 : index
    %get3A_98 = arith.constant 0 : index
    %get3A_99 = arith.constant 704 : index
    %get3A_100 = vector.load %arg1[%get3A_97, %get3A_98, %get3A_99] : memref<1x32x2016xf32, #tpu.memory_space<vmem>>, vector<1x32x1024xf32>
    %get3A_101 = vector.shape_cast %get3A_100 : vector<1x32x1024xf32> to vector<32x1024xf32>
    %swap3A_102 = arith.constant 0 : index
    %swap3A_103 = arith.constant 288 : index
    %swap3A_104 = arith.constant 0 : index
    %swap3A_105 = vector.load %arg2[%swap3A_102, %swap3A_103, %swap3A_104] : memref<1x1024x1024xf32, #tpu.memory_space<vmem>>, vector<1x32x1024xf32>
    %swap3A_106 = vector.shape_cast %swap3A_105 : vector<1x32x1024xf32> to vector<32x1024xf32>
    %swap3A_107 = vector.shape_cast %get3A_101 : vector<32x1024xf32> to vector<1x32x1024xf32>
    tpu.vector_store %arg2[%swap3A_102, %swap3A_103, %swap3A_104], %swap3A_107 {strides = array<i32>} : memref<1x1024x1024xf32, #tpu.memory_space<vmem>>, vector<1x32x1024xf32>,
    %get3A_108 = arith.constant 0 : index
    %get3A_109 = arith.constant 0 : index
    %get3A_110 = arith.constant 672 : index
    %get3A_111 = vector.load %arg1[%get3A_108, %get3A_109, %get3A_110] : memref<1x32x2016xf32, #tpu.memory_space<vmem>>, vector<1x32x1024xf32>
    %get3A_112 = vector.shape_cast %get3A_111 : vector<1x32x1024xf32> to vector<32x1024xf32>
    %swap3A_113 = arith.constant 0 : index
    %swap3A_114 = arith.constant 320 : index
    %swap3A_115 = arith.constant 0 : index
    %swap3A_116 = vector.load %arg2[%swap3A_113, %swap3A_114, %swap3A_115] : memref<1x1024x1024xf32, #tpu.memory_space<vmem>>, vector<1x32x1024xf32>
    %swap3A_117 = vector.shape_cast %swap3A_116 : vector<1x32x1024xf32> to vector<32x1024xf32>
    %swap3A_118 = vector.shape_cast %get3A_112 : vector<32x1024xf32> to vector<1x32x1024xf32>
    tpu.vector_store %arg2[%swap3A_113, %swap3A_114, %swap3A_115], %swap3A_118 {strides = array<i32>} : memref<1x1024x1024xf32, #tpu.memory_space<vmem>>, vector<1x32x1024xf32>,
    %get3A_119 = arith.constant 0 : index
    %get3A_120 = arith.constant 0 : index
    %get3A_121 = arith.constant 640 : index
    %get3A_122 = vector.load %arg1[%get3A_119, %get3A_120, %get3A_121] : memref<1x32x2016xf32, #tpu.memory_space<vmem>>, vector<1x32x1024xf32>
    %get3A_123 = vector.shape_cast %get3A_122 : vector<1x32x1024xf32> to vector<32x1024xf32>
    %swap3A_124 = arith.constant 0 : index
    %swap3A_125 = arith.constant 352 : index
    %swap3A_126 = arith.constant 0 : index
    %swap3A_127 = vector.load %arg2[%swap3A_124, %swap3A_125, %swap3A_126] : memref<1x1024x1024xf32, #tpu.memory_space<vmem>>, vector<1x32x1024xf32>
    %swap3A_128 = vector.shape_cast %swap3A_127 : vector<1x32x1024xf32> to vector<32x1024xf32>
    %swap3A_129 = vector.shape_cast %get3A_123 : vector<32x1024xf32> to vector<1x32x1024xf32>
    tpu.vector_store %arg2[%swap3A_124, %swap3A_125, %swap3A_126], %swap3A_129 {strides = array<i32>} : memref<1x1024x1024xf32, #tpu.memory_space<vmem>>, vector<1x32x1024xf32>,
    %get3A_130 = arith.constant 0 : index
    %get3A_131 = arith.constant 0 : index
    %get3A_132 = arith.constant 608 : index
    %get3A_133 = vector.load %arg1[%get3A_130, %get3A_131, %get3A_132] : memref<1x32x2016xf32, #tpu.memory_space<vmem>>, vector<1x32x1024xf32>
    %get3A_134 = vector.shape_cast %get3A_133 : vector<1x32x1024xf32> to vector<32x1024xf32>
    %swap3A_135 = arith.constant 0 : index
    %swap3A_136 = arith.constant 384 : index
    %swap3A_137 = arith.constant 0 : index
    %swap3A_138 = vector.load %arg2[%swap3A_135, %swap3A_136, %swap3A_137] : memref<1x1024x1024xf32, #tpu.memory_space<vmem>>, vector<1x32x1024xf32>
    %swap3A_139 = vector.shape_cast %swap3A_138 : vector<1x32x1024xf32> to vector<32x1024xf32>
    %swap3A_140 = vector.shape_cast %get3A_134 : vector<32x1024xf32> to vector<1x32x1024xf32>
    tpu.vector_store %arg2[%swap3A_135, %swap3A_136, %swap3A_137], %swap3A_140 {strides = array<i32>} : memref<1x1024x1024xf32, #tpu.memory_space<vmem>>, vector<1x32x1024xf32>,
    %get3A_141 = arith.constant 0 : index
    %get3A_142 = arith.constant 0 : index
    %get3A_143 = arith.constant 576 : index
    %get3A_144 = vector.load %arg1[%get3A_141, %get3A_142, %get3A_143] : memref<1x32x2016xf32, #tpu.memory_space<vmem>>, vector<1x32x1024xf32>
    %get3A_145 = vector.shape_cast %get3A_144 : vector<1x32x1024xf32> to vector<32x1024xf32>
    %swap3A_146 = arith.constant 0 : index
    %swap3A_147 = arith.constant 416 : index
    %swap3A_148 = arith.constant 0 : index
    %swap3A_149 = vector.load %arg2[%swap3A_146, %swap3A_147, %swap3A_148] : memref<1x1024x1024xf32, #tpu.memory_space<vmem>>, vector<1x32x1024xf32>
    %swap3A_150 = vector.shape_cast %swap3A_149 : vector<1x32x1024xf32> to vector<32x1024xf32>
    %swap3A_151 = vector.shape_cast %get3A_145 : vector<32x1024xf32> to vector<1x32x1024xf32>
    tpu.vector_store %arg2[%swap3A_146, %swap3A_147, %swap3A_148], %swap3A_151 {strides = array<i32>} : memref<1x1024x1024xf32, #tpu.memory_space<vmem>>, vector<1x32x1024xf32>,
    %get3A_152 = arith.constant 0 : index
    %get3A_153 = arith.constant 0 : index
    %get3A_154 = arith.constant 544 : index
    %get3A_155 = vector.load %arg1[%get3A_152, %get3A_153, %get3A_154] : memref<1x32x2016xf32, #tpu.memory_space<vmem>>, vector<1x32x1024xf32>
    %get3A_156 = vector.shape_cast %get3A_155 : vector<1x32x1024xf32> to vector<32x1024xf32>
    %swap3A_157 = arith.constant 0 : index
    %swap3A_158 = arith.constant 448 : index
    %swap3A_159 = arith.constant 0 : index
    %swap3A_160 = vector.load %arg2[%swap3A_157, %swap3A_158, %swap3A_159] : memref<1x1024x1024xf32, #tpu.memory_space<vmem>>, vector<1x32x1024xf32>
    %swap3A_161 = vector.shape_cast %swap3A_160 : vector<1x32x1024xf32> to vector<32x1024xf32>
    %swap3A_162 = vector.shape_cast %get3A_156 : vector<32x1024xf32> to vector<1x32x1024xf32>
    tpu.vector_store %arg2[%swap3A_157, %swap3A_158, %swap3A_159], %swap3A_162 {strides = array<i32>} : memref<1x1024x1024xf32, #tpu.memory_space<vmem>>, vector<1x32x1024xf32>,
    %get3A_163 = arith.constant 0 : index
    %get3A_164 = arith.constant 0 : index
    %get3A_165 = arith.constant 512 : index
    %get3A_166 = vector.load %arg1[%get3A_163, %get3A_164, %get3A_165] : memref<1x32x2016xf32, #tpu.memory_space<vmem>>, vector<1x32x1024xf32>
    %get3A_167 = vector.shape_cast %get3A_166 : vector<1x32x1024xf32> to vector<32x1024xf32>
    %swap3A_168 = arith.constant 0 : index
    %swap3A_169 = arith.constant 480 : index
    %swap3A_170 = arith.constant 0 : index
    %swap3A_171 = vector.load %arg2[%swap3A_168, %swap3A_169, %swap3A_170] : memref<1x1024x1024xf32, #tpu.memory_space<vmem>>, vector<1x32x1024xf32>
    %swap3A_172 = vector.shape_cast %swap3A_171 : vector<1x32x1024xf32> to vector<32x1024xf32>
    %swap3A_173 = vector.shape_cast %get3A_167 : vector<32x1024xf32> to vector<1x32x1024xf32>
    tpu.vector_store %arg2[%swap3A_168, %swap3A_169, %swap3A_170], %swap3A_173 {strides = array<i32>} : memref<1x1024x1024xf32, #tpu.memory_space<vmem>>, vector<1x32x1024xf32>,
    %get3A_174 = arith.constant 0 : index
    %get3A_175 = arith.constant 0 : index
    %get3A_176 = arith.constant 480 : index
    %get3A_177 = vector.load %arg1[%get3A_174, %get3A_175, %get3A_176] : memref<1x32x2016xf32, #tpu.memory_space<vmem>>, vector<1x32x1024xf32>
    %get3A_178 = vector.shape_cast %get3A_177 : vector<1x32x1024xf32> to vector<32x1024xf32>
    %swap3A_179 = arith.constant 0 : index
    %swap3A_180 = arith.constant 512 : index
    %swap3A_181 = arith.constant 0 : index
    %swap3A_182 = vector.load %arg2[%swap3A_179, %swap3A_180, %swap3A_181] : memref<1x1024x1024xf32, #tpu.memory_space<vmem>>, vector<1x32x1024xf32>
    %swap3A_183 = vector.shape_cast %swap3A_182 : vector<1x32x1024xf32> to vector<32x1024xf32>
    %swap3A_184 = vector.shape_cast %get3A_178 : vector<32x1024xf32> to vector<1x32x1024xf32>
    tpu.vector_store %arg2[%swap3A_179, %swap3A_180, %swap3A_181], %swap3A_184 {strides = array<i32>} : memref<1x1024x1024xf32, #tpu.memory_space<vmem>>, vector<1x32x1024xf32>,
    %get3A_185 = arith.constant 0 : index
    %get3A_186 = arith.constant 0 : index
    %get3A_187 = arith.constant 448 : index
    %get3A_188 = vector.load %arg1[%get3A_185, %get3A_186, %get3A_187] : memref<1x32x2016xf32, #tpu.memory_space<vmem>>, vector<1x32x1024xf32>
    %get3A_189 = vector.shape_cast %get3A_188 : vector<1x32x1024xf32> to vector<32x1024xf32>
    %swap3A_190 = arith.constant 0 : index
    %swap3A_191 = arith.constant 544 : index
    %swap3A_192 = arith.constant 0 : index
    %swap3A_193 = vector.load %arg2[%swap3A_190, %swap3A_191, %swap3A_192] : memref<1x1024x1024xf32, #tpu.memory_space<vmem>>, vector<1x32x1024xf32>
    %swap3A_194 = vector.shape_cast %swap3A_193 : vector<1x32x1024xf32> to vector<32x1024xf32>
    %swap3A_195 = vector.shape_cast %get3A_189 : vector<32x1024xf32> to vector<1x32x1024xf32>
    tpu.vector_store %arg2[%swap3A_190, %swap3A_191, %swap3A_192], %swap3A_195 {strides = array<i32>} : memref<1x1024x1024xf32, #tpu.memory_space<vmem>>, vector<1x32x1024xf32>,
    %get3A_196 = arith.constant 0 : index
    %get3A_197 = arith.constant 0 : index
    %get3A_198 = arith.constant 416 : index
    %get3A_199 = vector.load %arg1[%get3A_196, %get3A_197, %get3A_198] : memref<1x32x2016xf32, #tpu.memory_space<vmem>>, vector<1x32x1024xf32>
    %get3A_200 = vector.shape_cast %get3A_199 : vector<1x32x1024xf32> to vector<32x1024xf32>
    %swap3A_201 = arith.constant 0 : index
    %swap3A_202 = arith.constant 576 : index
    %swap3A_203 = arith.constant 0 : index
    %swap3A_204 = vector.load %arg2[%swap3A_201, %swap3A_202, %swap3A_203] : memref<1x1024x1024xf32, #tpu.memory_space<vmem>>, vector<1x32x1024xf32>
    %swap3A_205 = vector.shape_cast %swap3A_204 : vector<1x32x1024xf32> to vector<32x1024xf32>
    %swap3A_206 = vector.shape_cast %get3A_200 : vector<32x1024xf32> to vector<1x32x1024xf32>
    tpu.vector_store %arg2[%swap3A_201, %swap3A_202, %swap3A_203], %swap3A_206 {strides = array<i32>} : memref<1x1024x1024xf32, #tpu.memory_space<vmem>>, vector<1x32x1024xf32>,
    %get3A_207 = arith.constant 0 : index
    %get3A_208 = arith.constant 0 : index
    %get3A_209 = arith.constant 384 : index
    %get3A_210 = vector.load %arg1[%get3A_207, %get3A_208, %get3A_209] : memref<1x32x2016xf32, #tpu.memory_space<vmem>>, vector<1x32x1024xf32>
    %get3A_211 = vector.shape_cast %get3A_210 : vector<1x32x1024xf32> to vector<32x1024xf32>
    %swap3A_212 = arith.constant 0 : index
    %swap3A_213 = arith.constant 608 : index
    %swap3A_214 = arith.constant 0 : index
    %swap3A_215 = vector.load %arg2[%swap3A_212, %swap3A_213, %swap3A_214] : memref<1x1024x1024xf32, #tpu.memory_space<vmem>>, vector<1x32x1024xf32>
    %swap3A_216 = vector.shape_cast %swap3A_215 : vector<1x32x1024xf32> to vector<32x1024xf32>
    %swap3A_217 = vector.shape_cast %get3A_211 : vector<32x1024xf32> to vector<1x32x1024xf32>
    tpu.vector_store %arg2[%swap3A_212, %swap3A_213, %swap3A_214], %swap3A_217 {strides = array<i32>} : memref<1x1024x1024xf32, #tpu.memory_space<vmem>>, vector<1x32x1024xf32>,
    %get3A_218 = arith.constant 0 : index
    %get3A_219 = arith.constant 0 : index
    %get3A_220 = arith.constant 352 : index
    %get3A_221 = vector.load %arg1[%get3A_218, %get3A_219, %get3A_220] : memref<1x32x2016xf32, #tpu.memory_space<vmem>>, vector<1x32x1024xf32>
    %get3A_222 = vector.shape_cast %get3A_221 : vector<1x32x1024xf32> to vector<32x1024xf32>
    %swap3A_223 = arith.constant 0 : index
    %swap3A_224 = arith.constant 640 : index
    %swap3A_225 = arith.constant 0 : index
    %swap3A_226 = vector.load %arg2[%swap3A_223, %swap3A_224, %swap3A_225] : memref<1x1024x1024xf32, #tpu.memory_space<vmem>>, vector<1x32x1024xf32>
    %swap3A_227 = vector.shape_cast %swap3A_226 : vector<1x32x1024xf32> to vector<32x1024xf32>
    %swap3A_228 = vector.shape_cast %get3A_222 : vector<32x1024xf32> to vector<1x32x1024xf32>
    tpu.vector_store %arg2[%swap3A_223, %swap3A_224, %swap3A_225], %swap3A_228 {strides = array<i32>} : memref<1x1024x1024xf32, #tpu.memory_space<vmem>>, vector<1x32x1024xf32>,
    %get3A_229 = arith.constant 0 : index
    %get3A_230 = arith.constant 0 : index
    %get3A_231 = arith.constant 320 : index
    %get3A_232 = vector.load %arg1[%get3A_229, %get3A_230, %get3A_231] : memref<1x32x2016xf32, #tpu.memory_space<vmem>>, vector<1x32x1024xf32>
    %get3A_233 = vector.shape_cast %get3A_232 : vector<1x32x1024xf32> to vector<32x1024xf32>
    %swap3A_234 = arith.constant 0 : index
    %swap3A_235 = arith.constant 672 : index
    %swap3A_236 = arith.constant 0 : index
    %swap3A_237 = vector.load %arg2[%swap3A_234, %swap3A_235, %swap3A_236] : memref<1x1024x1024xf32, #tpu.memory_space<vmem>>, vector<1x32x1024xf32>
    %swap3A_238 = vector.shape_cast %swap3A_237 : vector<1x32x1024xf32> to vector<32x1024xf32>
    %swap3A_239 = vector.shape_cast %get3A_233 : vector<32x1024xf32> to vector<1x32x1024xf32>
    tpu.vector_store %arg2[%swap3A_234, %swap3A_235, %swap3A_236], %swap3A_239 {strides = array<i32>} : memref<1x1024x1024xf32, #tpu.memory_space<vmem>>, vector<1x32x1024xf32>,
    %get3A_240 = arith.constant 0 : index
    %get3A_241 = arith.constant 0 : index
    %get3A_242 = arith.constant 288 : index
    %get3A_243 = vector.load %arg1[%get3A_240, %get3A_241, %get3A_242] : memref<1x32x2016xf32, #tpu.memory_space<vmem>>, vector<1x32x1024xf32>
    %get3A_244 = vector.shape_cast %get3A_243 : vector<1x32x1024xf32> to vector<32x1024xf32>
    %swap3A_245 = arith.constant 0 : index
    %swap3A_246 = arith.constant 704 : index
    %swap3A_247 = arith.constant 0 : index
    %swap3A_248 = vector.load %arg2[%swap3A_245, %swap3A_246, %swap3A_247] : memref<1x1024x1024xf32, #tpu.memory_space<vmem>>, vector<1x32x1024xf32>
    %swap3A_249 = vector.shape_cast %swap3A_248 : vector<1x32x1024xf32> to vector<32x1024xf32>
    %swap3A_250 = vector.shape_cast %get3A_244 : vector<32x1024xf32> to vector<1x32x1024xf32>
    tpu.vector_store %arg2[%swap3A_245, %swap3A_246, %swap3A_247], %swap3A_250 {strides = array<i32>} : memref<1x1024x1024xf32, #tpu.memory_space<vmem>>, vector<1x32x1024xf32>,
    %get3A_251 = arith.constant 0 : index
    %get3A_252 = arith.constant 0 : index
    %get3A_253 = arith.constant 256 : index
    %get3A_254 = vector.load %arg1[%get3A_251, %get3A_252, %get3A_253] : memref<1x32x2016xf32, #tpu.memory_space<vmem>>, vector<1x32x1024xf32>
    %get3A_255 = vector.shape_cast %get3A_254 : vector<1x32x1024xf32> to vector<32x1024xf32>
    %swap3A_256 = arith.constant 0 : index
    %swap3A_257 = arith.constant 736 : index
    %swap3A_258 = arith.constant 0 : index
    %swap3A_259 = vector.load %arg2[%swap3A_256, %swap3A_257, %swap3A_258] : memref<1x1024x1024xf32, #tpu.memory_space<vmem>>, vector<1x32x1024xf32>
    %swap3A_260 = vector.shape_cast %swap3A_259 : vector<1x32x1024xf32> to vector<32x1024xf32>
    %swap3A_261 = vector.shape_cast %get3A_255 : vector<32x1024xf32> to vector<1x32x1024xf32>
    tpu.vector_store %arg2[%swap3A_256, %swap3A_257, %swap3A_258], %swap3A_261 {strides = array<i32>} : memref<1x1024x1024xf32, #tpu.memory_space<vmem>>, vector<1x32x1024xf32>,
    %get3A_262 = arith.constant 0 : index
    %get3A_263 = arith.constant 0 : index
    %get3A_264 = arith.constant 224 : index
    %get3A_265 = vector.load %arg1[%get3A_262, %get3A_263, %get3A_264] : memref<1x32x2016xf32, #tpu.memory_space<vmem>>, vector<1x32x1024xf32>
    %get3A_266 = vector.shape_cast %get3A_265 : vector<1x32x1024xf32> to vector<32x1024xf32>
    %swap3A_267 = arith.constant 0 : index
    %swap3A_268 = arith.constant 768 : index
    %swap3A_269 = arith.constant 0 : index
    %swap3A_270 = vector.load %arg2[%swap3A_267, %swap3A_268, %swap3A_269] : memref<1x1024x1024xf32, #tpu.memory_space<vmem>>, vector<1x32x1024xf32>
    %swap3A_271 = vector.shape_cast %swap3A_270 : vector<1x32x1024xf32> to vector<32x1024xf32>
    %swap3A_272 = vector.shape_cast %get3A_266 : vector<32x1024xf32> to vector<1x32x1024xf32>
    tpu.vector_store %arg2[%swap3A_267, %swap3A_268, %swap3A_269], %swap3A_272 {strides = array<i32>} : memref<1x1024x1024xf32, #tpu.memory_space<vmem>>, vector<1x32x1024xf32>,
    %get3A_273 = arith.constant 0 : index
    %get3A_274 = arith.constant 0 : index
    %get3A_275 = arith.constant 192 : index
    %get3A_276 = vector.load %arg1[%get3A_273, %get3A_274, %get3A_275] : memref<1x32x2016xf32, #tpu.memory_space<vmem>>, vector<1x32x1024xf32>
    %get3A_277 = vector.shape_cast %get3A_276 : vector<1x32x1024xf32> to vector<32x1024xf32>
    %swap3A_278 = arith.constant 0 : index
    %swap3A_279 = arith.constant 800 : index
    %swap3A_280 = arith.constant 0 : index
    %swap3A_281 = vector.load %arg2[%swap3A_278, %swap3A_279, %swap3A_280] : memref<1x1024x1024xf32, #tpu.memory_space<vmem>>, vector<1x32x1024xf32>
    %swap3A_282 = vector.shape_cast %swap3A_281 : vector<1x32x1024xf32> to vector<32x1024xf32>
    %swap3A_283 = vector.shape_cast %get3A_277 : vector<32x1024xf32> to vector<1x32x1024xf32>
    tpu.vector_store %arg2[%swap3A_278, %swap3A_279, %swap3A_280], %swap3A_283 {strides = array<i32>} : memref<1x1024x1024xf32, #tpu.memory_space<vmem>>, vector<1x32x1024xf32>,
    %get3A_284 = arith.constant 0 : index
    %get3A_285 = arith.constant 0 : index
    %get3A_286 = arith.constant 160 : index
    %get3A_287 = vector.load %arg1[%get3A_284, %get3A_285, %get3A_286] : memref<1x32x2016xf32, #tpu.memory_space<vmem>>, vector<1x32x1024xf32>
    %get3A_288 = vector.shape_cast %get3A_287 : vector<1x32x1024xf32> to vector<32x1024xf32>
    %swap3A_289 = arith.constant 0 : index
    %swap3A_290 = arith.constant 832 : index
    %swap3A_291 = arith.constant 0 : index
    %swap3A_292 = vector.load %arg2[%swap3A_289, %swap3A_290, %swap3A_291] : memref<1x1024x1024xf32, #tpu.memory_space<vmem>>, vector<1x32x1024xf32>
    %swap3A_293 = vector.shape_cast %swap3A_292 : vector<1x32x1024xf32> to vector<32x1024xf32>
    %swap3A_294 = vector.shape_cast %get3A_288 : vector<32x1024xf32> to vector<1x32x1024xf32>
    tpu.vector_store %arg2[%swap3A_289, %swap3A_290, %swap3A_291], %swap3A_294 {strides = array<i32>} : memref<1x1024x1024xf32, #tpu.memory_space<vmem>>, vector<1x32x1024xf32>,
    %get3A_295 = arith.constant 0 : index
    %get3A_296 = arith.constant 0 : index
    %get3A_297 = arith.constant 128 : index
    %get3A_298 = vector.load %arg1[%get3A_295, %get3A_296, %get3A_297] : memref<1x32x2016xf32, #tpu.memory_space<vmem>>, vector<1x32x1024xf32>
    %get3A_299 = vector.shape_cast %get3A_298 : vector<1x32x1024xf32> to vector<32x1024xf32>
    %swap3A_300 = arith.constant 0 : index
    %swap3A_301 = arith.constant 864 : index
    %swap3A_302 = arith.constant 0 : index
    %swap3A_303 = vector.load %arg2[%swap3A_300, %swap3A_301, %swap3A_302] : memref<1x1024x1024xf32, #tpu.memory_space<vmem>>, vector<1x32x1024xf32>
    %swap3A_304 = vector.shape_cast %swap3A_303 : vector<1x32x1024xf32> to vector<32x1024xf32>
    %swap3A_305 = vector.shape_cast %get3A_299 : vector<32x1024xf32> to vector<1x32x1024xf32>
    tpu.vector_store %arg2[%swap3A_300, %swap3A_301, %swap3A_302], %swap3A_305 {strides = array<i32>} : memref<1x1024x1024xf32, #tpu.memory_space<vmem>>, vector<1x32x1024xf32>,
    %get3A_306 = arith.constant 0 : index
    %get3A_307 = arith.constant 0 : index
    %get3A_308 = arith.constant 96 : index
    %get3A_309 = vector.load %arg1[%get3A_306, %get3A_307, %get3A_308] : memref<1x32x2016xf32, #tpu.memory_space<vmem>>, vector<1x32x1024xf32>
    %get3A_310 = vector.shape_cast %get3A_309 : vector<1x32x1024xf32> to vector<32x1024xf32>
    %swap3A_311 = arith.constant 0 : index
    %swap3A_312 = arith.constant 896 : index
    %swap3A_313 = arith.constant 0 : index
    %swap3A_314 = vector.load %arg2[%swap3A_311, %swap3A_312, %swap3A_313] : memref<1x1024x1024xf32, #tpu.memory_space<vmem>>, vector<1x32x1024xf32>
    %swap3A_315 = vector.shape_cast %swap3A_314 : vector<1x32x1024xf32> to vector<32x1024xf32>
    %swap3A_316 = vector.shape_cast %get3A_310 : vector<32x1024xf32> to vector<1x32x1024xf32>
    tpu.vector_store %arg2[%swap3A_311, %swap3A_312, %swap3A_313], %swap3A_316 {strides = array<i32>} : memref<1x1024x1024xf32, #tpu.memory_space<vmem>>, vector<1x32x1024xf32>,
    %get3A_317 = arith.constant 0 : index
    %get3A_318 = arith.constant 0 : index
    %get3A_319 = arith.constant 64 : index
    %get3A_320 = vector.load %arg1[%get3A_317, %get3A_318, %get3A_319] : memref<1x32x2016xf32, #tpu.memory_space<vmem>>, vector<1x32x1024xf32>
    %get3A_321 = vector.shape_cast %get3A_320 : vector<1x32x1024xf32> to vector<32x1024xf32>
    %swap3A_322 = arith.constant 0 : index
    %swap3A_323 = arith.constant 928 : index
    %swap3A_324 = arith.constant 0 : index
    %swap3A_325 = vector.load %arg2[%swap3A_322, %swap3A_323, %swap3A_324] : memref<1x1024x1024xf32, #tpu.memory_space<vmem>>, vector<1x32x1024xf32>
    %swap3A_326 = vector.shape_cast %swap3A_325 : vector<1x32x1024xf32> to vector<32x1024xf32>
    %swap3A_327 = vector.shape_cast %get3A_321 : vector<32x1024xf32> to vector<1x32x1024xf32>
    tpu.vector_store %arg2[%swap3A_322, %swap3A_323, %swap3A_324], %swap3A_327 {strides = array<i32>} : memref<1x1024x1024xf32, #tpu.memory_space<vmem>>, vector<1x32x1024xf32>,
    %get3A_328 = arith.constant 0 : index
    %get3A_329 = arith.constant 0 : index
    %get3A_330 = arith.constant 32 : index
    %get3A_331 = vector.load %arg1[%get3A_328, %get3A_329, %get3A_330] : memref<1x32x2016xf32, #tpu.memory_space<vmem>>, vector<1x32x1024xf32>
    %get3A_332 = vector.shape_cast %get3A_331 : vector<1x32x1024xf32> to vector<32x1024xf32>
    %swap3A_333 = arith.constant 0 : index
    %swap3A_334 = arith.constant 960 : index
    %swap3A_335 = arith.constant 0 : index
    %swap3A_336 = vector.load %arg2[%swap3A_333, %swap3A_334, %swap3A_335] : memref<1x1024x1024xf32, #tpu.memory_space<vmem>>, vector<1x32x1024xf32>
    %swap3A_337 = vector.shape_cast %swap3A_336 : vector<1x32x1024xf32> to vector<32x1024xf32>
    %swap3A_338 = vector.shape_cast %get3A_332 : vector<32x1024xf32> to vector<1x32x1024xf32>
    tpu.vector_store %arg2[%swap3A_333, %swap3A_334, %swap3A_335], %swap3A_338 {strides = array<i32>} : memref<1x1024x1024xf32, #tpu.memory_space<vmem>>, vector<1x32x1024xf32>,
    %get3A_339 = arith.constant 0 : index
    %get3A_340 = arith.constant 0 : index
    %get3A_341 = arith.constant 0 : index
    %get3A_342 = vector.load %arg1[%get3A_339, %get3A_340, %get3A_341] : memref<1x32x2016xf32, #tpu.memory_space<vmem>>, vector<1x32x1024xf32>
    %get3A_343 = vector.shape_cast %get3A_342 : vector<1x32x1024xf32> to vector<32x1024xf32>
    %swap3A_344 = arith.constant 0 : index
    %swap3A_345 = arith.constant 992 : index
    %swap3A_346 = arith.constant 0 : index
    %swap3A_347 = vector.load %arg2[%swap3A_344, %swap3A_345, %swap3A_346] : memref<1x1024x1024xf32, #tpu.memory_space<vmem>>, vector<1x32x1024xf32>
    %swap3A_348 = vector.shape_cast %swap3A_347 : vector<1x32x1024xf32> to vector<32x1024xf32>
    %swap3A_349 = vector.shape_cast %get3A_343 : vector<32x1024xf32> to vector<1x32x1024xf32>
    tpu.vector_store %arg2[%swap3A_344, %swap3A_345, %swap3A_346], %swap3A_349 {strides = array<i32>} : memref<1x1024x1024xf32, #tpu.memory_space<vmem>>, vector<1x32x1024xf32>,
    return
  }
  func.func @transform_0(%arg0: i32) -> (i32, i32, i32) {
    %c0_i32 = arith.constant 0 : i32
    %c0_i32_0 = arith.constant 0 : i32
    %c0_i32_1 = arith.constant 0 : i32
    return %arg0, %c0_i32, %c0_i32_0 : i32, i32, i32
  }
  func.func @transform_1(%arg0: i32) -> (i32, i32, i32) {
    %c0_i32 = arith.constant 0 : i32
    %c0_i32_0 = arith.constant 0 : i32
    %c0_i32_1 = arith.constant 0 : i32
    return %arg0, %c0_i32, %c0_i32_0 : i32, i32, i32
  }
}

</mosaic_0001>

<sc_bundles>
// kernel: kernel.4.cloned.1.call-start
scs
__scs_entry_jumppad:
0x0: {  	(pc) =	sbr.rel $0x88, $3  }
0x1: {  	(tag) =	ssettag $0x0;
	lr =	simm.s32 $0x1  }
0x2: {  	[smem:$0x3FA0] =	sst lr;
	_ =	strace $0xD0000000  }
0x3: {  	_ = 	snop  }
0x4: {  	_ = 	snop  }
0x5: {  	_ = 	snop  }
0x6: {  	_ = 	snop  }
0x7: {  	_ = 	snop  }
__scs_overlays_trampoline_lowered:
0x8: {  	[smem:$0x3FAF] =	sst s0  }
0x9: {  	[smem:$0x3FB0] =	sst s1  }
0xa: {  	[smem:$0x3FB1] =	sst s2  }
0xb: {  	[smem:$0x3FB2] =	sst s3  }
0xc: {  	[smem:$0x3FB3] =	sst s4  }
0xd: {  	[smem:$0x3FB4] =	sst s5  }
0xe: {  	[smem:$0x3FB5] =	sst s6  }
0xf: {  	[smem:$0x3FB6] =	sst s7  }
0x10: {  	[smem:$0x3FB7] =	sst s8  }
0x11: {  	[smem:$0x3FB8] =	sst s9;
	s0 =	simm.s32 @!p0 $0x0  }
0x12: {  	s1 =	sld [smem:$0x3F9E];
	s0 =	simm.s32 @p0 $0x1  }
0x13: {  	[smem:$0x3FB9] =	sst s0;
	s0 =	simm.s32 @!p1 $0x0  }
0x14: {  	s2 =	sld [smem:$0x3F9D];
	s0 =	simm.s32 @p1 $0x1  }
0x15: {  	[smem:$0x3FBA] =	sst s0;
	s0 =	simm.s32 @!p2 $0x0  }
0x16: {  	s3 =	sld [smem:$0x3FDB];
	s0 =	simm.s32 @p2 $0x1  }
0x17: {  	s4 =	simm.s32 $0x1BF5;
	[smem:$0x3FBC] =	sst s0  }
0x18: {  	s0 =	sld [smem:$0x3F9F];
	_ =	swait.ge [sflag:s4], $0x0  }
0x19: {  	s7 =	sld [smem:$0x3FA0]  }
0x1a: {  	s8 =	sadd.s32 $0xFFFFE003, lr  }
0x1b: {  	s9 =	sadd.s32 $0xFFFFFEF7, lr;
	s5 =	simm.s32 $0xFFFFFFFF;
	p2 =	slt.u32 s8, $0xFFFFF086  }
0x1c: {  	p1 =	slt.u32 s9, $0xF7A;
	s5 =	simm.s32 @!p2 $0x0  }
0x1d: {  	s5 =	simm.s32 @p1 $0x1;
	p0 =	seq.s32 s7, s2  }
0x1e: {  	s7 =	smul.u32 @!p0 $0xF7A, s2;
	p2 =	seq.s32 @!p0 s5, $0x0  }
0x1f: {  	s9 =	smul.u32 $0xF7A, s1;
	s8 =	simm.s32 @!p0 $0x1BF5;
	p2 =	por !p2, p0  }
0x20: {  	[sflag:s8] =	ssyncset.s32 @!p0 $0xFFFFF086;
	s6 =	sadd.s32 @!p0 s3, s7;
	s7 =	simm.s32 @!p0 $0x108  }
0x21: {  	s3 =	sadd.s32 s3, s9;
	s6 =	sadd.s32 @!p0 $0x88, s6;
	s7 =	simm.s32 @p2 $0x1082  }
0x22: {  	[simem:s7], [sflag:s8] =	dma.local @!p0 [hbm:s6], $0xF7A  }
0x23: {  	s9 =	sor.u32 $0xD0000000, s2;
	s6 =	simm.s32 $0x108;
	_ =	swait.ge @!p0 [sflag:s8], $0x0  }
0x24: {  	s3 =	sadd.s32 $0x88, s3;
	s6 =	simm.s32 @!p1 $0x1082;
	[sflag:s4] =	ssyncset.s32 $0xFFFFF086  }
0x25: {  	[simem:s6], [sflag:s4] =	dma.local [hbm:s3], $0xF7A  }
0x26: {  	[smem:$0x3FA0] =	sst s1;
	(tag) =	ssettag s2;
	_ =	strace s9  }
0x27: {  	s1 =	sld [smem:$0x3FB0]  }
0x28: {  	s2 =	sld [smem:$0x3FB1]  }
0x29: {  	s4 =	sld [smem:$0x3FB3]  }
0x2a: {  	p0 =	seq.s32 s5, $0x0;
	s5 =	sld [smem:$0x3FB4]  }
0x2b: {  	s6 =	sld [smem:$0x3FB5]  }
0x2c: {  	s7 =	sld [smem:$0x3FB6]  }
0x2d: {  	s3 =	simm.s32 $0x108;
	s8 =	sld [smem:$0x3FB7]  }
0x2e: {  	s3 =	simm.s32 @!p0 $0x1082;
	s9 =	sld [smem:$0x3FB8]  }
0x2f: {  	lr =	sadd.s32 s0, s3;
	s0 =	sld [smem:$0x3FAF]  }
0x30: {  	s3 =	sld [smem:$0x3FB2]  }
0x31: {  	[smem:$0x3FBB] =	sst s10  }
0x32: {  	s10 =	sld [smem:$0x3FB9];
	_ =	sdelay $0x3  }
0x33: {  	p0 =	seq.s32 s10, $0x1;
	s10 =	sld [smem:$0x3FBB];
	_ =	sdelay $0x3  }
0x34: {  	[smem:$0x3FBB] =	sst s10  }
0x35: {  	s10 =	sld [smem:$0x3FBA];
	_ =	sdelay $0x3  }
0x36: {  	p1 =	seq.s32 s10, $0x1;
	s10 =	sld [smem:$0x3FBB];
	_ =	sdelay $0x3  }
0x37: {  	[smem:$0x3FBB] =	sst s10  }
0x38: {  	s10 =	sld [smem:$0x3FBC]  }
0x39: {  	_ = 	snop;
	(pc) =	sbr.ind lr, $3  }
0x3a: {  	_ = 	snop  }
0x3b: {  	_ = 	snop  }
0x3c: {  	p2 =	seq.s32 s10, $0x1;
	s10 =	sld [smem:$0x3FBB]  }
0x3d: {  	_ =	shalt  }
0x3e: {  	_ =	shalt  }
0x3f: {  	_ =	shalt  }
0x40: {  	_ =	shalt  }
0x41: {  	_ =	shalt  }
0x42: {  	_ =	shalt  }
0x43: {  	_ =	shalt  }
0x44: {  	_ =	shalt  }
0x45: {  	_ =	shalt  }
0x46: {  	_ =	shalt  }
0x47: {  	_ =	shalt  }
0x48: {  	_ =	shalt  }
0x49: {  	_ =	shalt  }
0x4a: {  	_ =	shalt  }
0x4b: {  	_ =	shalt  }
0x4c: {  	_ =	shalt  }
0x4d: {  	_ =	shalt  }
0x4e: {  	_ =	shalt  }
0x4f: {  	_ =	shalt  }
0x50: {  	_ =	shalt  }
0x51: {  	_ =	shalt  }
0x52: {  	_ =	shalt  }
0x53: {  	_ =	shalt  }
0x54: {  	_ =	shalt  }
0x55: {  	_ =	shalt  }
0x56: {  	_ =	shalt  }
0x57: {  	_ =	shalt  }
0x58: {  	_ =	shalt  }
0x59: {  	_ =	shalt  }
0x5a: {  	_ =	shalt  }
0x5b: {  	_ =	shalt  }
0x5c: {  	_ =	shalt  }
0x5d: {  	_ =	shalt  }
0x5e: {  	_ =	shalt  }
0x5f: {  	_ =	shalt  }
0x60: {  	_ =	shalt  }
0x61: {  	_ =	shalt  }
0x62: {  	_ =	shalt  }
0x63: {  	_ =	shalt  }
0x64: {  	_ =	shalt  }
0x65: {  	_ =	shalt  }
0x66: {  	_ =	shalt  }
0x67: {  	_ =	shalt  }
0x68: {  	_ =	shalt  }
0x69: {  	_ =	shalt  }
0x6a: {  	_ =	shalt  }
0x6b: {  	_ =	shalt  }
0x6c: {  	_ =	shalt  }
0x6d: {  	_ =	shalt  }
0x6e: {  	_ =	shalt  }
0x6f: {  	_ =	shalt  }
0x70: {  	_ =	shalt  }
0x71: {  	_ =	shalt  }
0x72: {  	_ =	shalt  }
0x73: {  	_ =	shalt  }
0x74: {  	_ =	shalt  }
0x75: {  	_ =	shalt  }
0x76: {  	_ =	shalt  }
0x77: {  	_ =	shalt  }
0x78: {  	_ =	shalt  }
0x79: {  	_ =	shalt  }
0x7a: {  	_ =	shalt  }
0x7b: {  	_ =	shalt  }
0x7c: {  	_ =	shalt  }
0x7d: {  	_ =	shalt  }
0x7e: {  	_ =	shalt  }
0x7f: {  	_ =	shalt  }
0x80: {  	_ =	shalt  }
0x81: {  	_ =	shalt  }
0x82: {  	_ =	shalt  }
0x83: {  	_ =	shalt  }
0x84: {  	_ =	shalt  }
0x85: {  	_ =	shalt  }
0x86: {  	_ =	shalt  }
0x87: {  	_ =	shalt  }
.Lfunc_end0:
.L_simem_size_0:
called_computation_lowered:
.L_overlay_start_0:
0x88: {  	s2 =	sld [smem:$0x3FD9]  }
0x89: {  	s3 =	sld [smem:$0x3FFE];
	_ =	sdelay $0x1  }
0x8a: {  	s1 =	srdreg.scid  }
0x8b: {  	s0 =	sand.u32 $0x1, s1  }
0x8c: {  	s17 =	sshll.u32 s0, $0xA;
	s2 =	sadd.s32 s3, s2  }
0x8d: {  	s2 =	sadd.s32 s2, s17  }
0x8e: {  	[smem:$0x3FC7] =	sst s2  }
0x8f: {  	_ = 	snop  }
0x90: {  	s2 =	sld [smem:$0x3FD0];
	(tm) =	ssettm $0x1  }
0x91: {  	s18 =	sld [smem:$0x3FFB];
	_ =	sdelay $0x3  }
0x92: {  	_ =	strace s18  }
0x93: {  	s3 =	sld [smem:$0x3FFC];
	_ =	sdelay $0x3  }
0x94: {  	_ =	strace s3  }
0x95: {  	s3 =	sld [smem:$0x3FFD];
	_ =	sdelay $0x3  }
0x96: {  	_ =	strace s3  }
0x97: {  	_ =	strace $0x8FFFFFFF  }
0x98: {  	s19 =	sld [smem:$0x3FDB];
	_ =	sdelay $0x1  }
0x99: {  	s4 =	simm.s32 $_scs_section_size  }
0x9a: {  	s5 =	simm.s32 $_size__tile_overlayer_lowered;
	s6 =	simm.s32 $_tile_overlayer_lowered  }
0x9b: {  	s22 =	simm.s32 $0x1BFF;
	s21 =	sshll.u32 s6, $0x1;
	s3 =	sadd.s32 s4, s19  }
0x9c: {  	s7 =	simm.s32 $0x0;
	s20 =	sshll.u32 s5, $0x1;
	s5 =	sadd.s32 s21, s3  }
0x9d: {  	[timem:s7], [sflag:s22] =	dma.local [hbm:s5], s20  }
0x9e: {  	_ =	swait.ge [sflag:s22], s20  }
0x9f: {  	s4 =	ssub.s32 $0x0, s20;
	[sflag:s22] =	ssyncset.done $0x0  }
0xa0: {  	[sflag:s22] =	ssyncadd.s32 s4;
	_ =	sdelay $0x1  }
0xa1: {  	s23 =	simm.s32 $0x1B8B  }
0xa2: {  	_ =	swait.ge [sflag:s23], $0x1  }
0xa3: {  	[sflag:s23] =	ssyncset.done $0x0  }
0xa4: {  	s25 =	simm.s32 $0x1B8E;
	s24 =	sld [smem:$0x3FFE];
	[sflag:s23] =	ssyncadd.s32 $0xFFFFFFFF  }
0xa5: {  	s26 =	simm.s32 $execute0_lowered;
	[smem:$0x3FD2] =	sst s25  }
0xa6: {  	s5 =	sshll.u32 s26, $0x1;
	_ =	strace $0x80000046;
	[dreg:$0x1] =	wrdreg $0xFFFFFFFF  }
0xa7: {  	s28 =	simm.s32 $_size_execute0_lowered;
	s3 =	sadd.s32 s3, s5;
	[dreg:$0x0] =	wrdreg $0x0  }
0xa8: {  	s5 =	sshll.u32 s28, $0x1;
	[dreg:$0x2] =	wrdreg s3  }
0xa9: {  	[dreg:$0x3] =	wrdreg s5  }
0xaa: {  	[dreg:$0x4] =	wrdreg $0xC0  }
0xab: {  	_ =	task [dreg:s7], $0x5FFFF  }
0xac: {  	[dreg:$0x1] =	wrdreg $0xFFFFFFFF  }
0xad: {  	[dreg:$0x0] =	wrdreg $0x60  }
0xae: {  	[dreg:$0x2] =	wrdreg s24  }
0xaf: {  	[dreg:$0x3] =	wrdreg s2  }
0xb0: {  	[dreg:$0x4] =	wrdreg $0x9  }
0xb1: {  	_ =	task.clear_ibuf [dreg:s7], $0x5FFFF;
	_ =	strace $0x90000046  }
0xb2: {  	s29 =	simm.s32 $0x9;
	_ =	strace $0x80000048  }
0xb3: {  	_ =	swait.ge [sflag:s29], $0x1  }
0xb4: {  	[sflag:s29] =	ssyncadd.s32 $0xFFFFFFFF  }
0xb5: {  	_ =	strace $0x90000048  }
0xb6: {  	_ =	sfence  }
0xb7: {  	s30 =	sld [smem:$0x0];
	_ =	sdelay $0x2  }
0xb8: {  	s31 =	sshll.u32 s1, $0xD;
	s1 =	sshrl.u32 s1, $0x2  }
0xb9: {  	s3 =	sand.u32 $0x4000, s31;
	s1 =	sadd.s32 s1, s30  }
0xba: {  	s0 =	sor.u32 s3, s0;
	s1 =	sshll.u32 s1, $0x11  }
0xbb: {  	s0 =	sor.u32 s1, s0  }
0xbc: {  	s0 =	sadd.s32 $0x8F2B, s0  }
0xbd: {  	[sflag:s0] =	ssyncadd.remote.s32 $0x1  }
0xbe: {  	_ =	sfence.sel $0xFFFF  }
0xbf: {  	[dreg:$0x0] =	wrdreg $0xFFFFFFFF;
	(pc) =	sbr.abs _section_cstart, $3  }
0xc0: {  	[dreg:$0x1] =	wrdreg $0xFFFFFFFF  }
0xc1: {  	_ =	task.clear_ibuf [dreg:s7], $0x2FFFF;
	_ =	strace $0x9FFFFFFF  }
0xc2: {  	(tm) =	ssettm $0x7FFFFFFF  }
0xc3: {  	_ =	shalt  }
tec
execute0_lowered:
.L_overlay_start_1:
0x0: {  	(tag) =	ssettag $0x1  }
0x1: {  	s0 =	srdreg.scid  }
0x2: {  	s2 =	stileid.u32;
	s3 =	rddreg [dreg:$0x0];
	s4 =	sand.u32 $0x1, s0  }
0x3: {  	s1 =	rddreg [dreg:$0x1];
	s31 =	simm.s32 $0xFC0;
	s0 =	sor.u32 s4, s2  }
0x4: {  	s28 =	simm.s32 $0x6660;
	p1 =	seq.s32 s4, $0x1;
	p0 =	seq.s32 s0, $0x0  }
0x5: {  	s29 =	simm.s32 $0x6E40;
	s30 =	simm.s32 $0x7620;
	p0 =	por !p0, !p1  }
0x6: {  	s5 =	sadd.s32 $0x400, s3;
	s0 =	simm.s32 $0x1;
	p0 =	por !p0, !p0  }
0x7: {  	s3 =	simm.s32 $0x1;
	s7 =	sshll.u32 s4, $0x4;
	s0 =	simm.s32 @!p0 $0x0  }
0x8: {  	s8 =	ssub.s32 $0x2, s4;
	s4 =	smul.u32 $0x7E00, s4;
	s0 =	ssub.s32 s2, s0  }
0x9: {  	s21 =	sshrl.u32 s8, $0x1;
	s2 =	simm.s32 $0x0;
	s6 =	smul.u32 $0xFC0, s0  }
0xa: {  	s14 =	ssub.s32 s8, s21;
	[smem:$0x7FF] =	sst s2;
	s0 =	smul.u32 $0xFC00, s0  }
0xb: {  	p0 =	por $0x0, $0x0;
	_ =	strace $0x80000047;
	s9 =	sor.u32 s7, s6  }
0xc: {  	s12 =	ssub.s32 s6, s7;
	s0 =	sadd.s32 s4, s0;
	s9 =	sadd.s32 $0x6E400, s9  }
0xd: {  	s7 =	sadd.s32 $0x5E818, s12;
	s24 =	sadd.s32 $0x4EC18, s12;
	s8 =	sadd.s32 $0x3F018, s12  }
0xe: {  	s10 =	sadd.s32 $0x2F418, s12;
	s11 =	sadd.s32 $0x1F818, s12;
	s17 =	sadd.s32 $0xFC18, s12  }
0xf: {  	s19 =	sadd.s32 $0x18, s12;
	s20 =	sadd.s32 $0x6E410, s12;
	s0 =	sshrl.u32 s0, $0x3  }
0x10: {  	s22 =	sshrl.u32 s9, $0x3;
	s7 =	sshrl.u32 s7, $0x3;
	s26 =	sshrl.u32 s24, $0x3  }
0x11: {  	s9 =	sshrl.u32 s8, $0x3;
	s15 =	sshrl.u32 s11, $0x3;
	s18 =	sshrl.u32 s17, $0x3  }
0x12: {  	s24 =	sadd.s32 $0x4EC10, s12;
	s11 =	sadd.s32 $0x1F810, s12;
	s4 =	sadd.s32 s1, s0  }
0x13: {  	s17 =	simm.s32 $0x7E0;
	s23 =	sxor.u32 $0x3, s22;
	s25 =	sadd.s32 s5, s7  }
0x14: {  	s7 =	sadd.s32 s5, s26;
	s16 =	sadd.s32 s5, s15;
	s22 =	sshrl.u32 s20, $0x3  }
0x15: {  	s8 =	sshrl.u32 s24, $0x3;
	s11 =	sshrl.u32 s11, $0x3;
	s26 =	smax.u32 s14, $0x1  }
0x16: {  	s14 =	simm.s32 $0x20;
	s24 =	simm.s32 $0x17A0;
	[dreg:$0x4] =	wrdreg s25  }
0x17: {  	s20 =	simm.s32 $0x46E0;
	s6 =	sadd.s32 s5, s23;
	[dreg:$0x5] =	wrdreg s7  }
0x18: {  	s7 =	sshrl.u32 s10, $0x3;
	[dreg:$0x8] =	wrdreg s16;
	s23 =	sadd.s32 $0x5E810, s12  }
0x19: {  	s25 =	sadd.s32 $0x3F010, s12;
	s8 =	sadd.s32 s5, s8;
	s10 =	sadd.s32 $0x2F410, s12  }
0x1a: {  	s11 =	sadd.s32 s5, s11;
	p1 =	sne.s32 s26, $0x1;
	[dreg:$0x3] =	wrdreg s6  }
0x1b: {  	s6 =	sadd.s32 s5, s9;
	s13 =	sadd.s32 s5, s7;
	s7 =	sshrl.u32 s19, $0x3  }
0x1c: {  	s9 =	sshrl.u32 s25, $0x3;
	s10 =	sshrl.u32 s10, $0x3;
	[dreg:$0x6] =	wrdreg s6  }
0x1d: {  	s19 =	simm.s32 $0x3F00;
	s25 =	simm.s32 $0x56A0;
	[dreg:$0x7] =	wrdreg s13  }
0x1e: {  	s6 =	sadd.s32 s5, s18;
	s21 =	sadd.s32 s5, s7;
	s7 =	sshrl.u32 s23, $0x3  }
0x1f: {  	s9 =	sadd.s32 s5, s9;
	s10 =	sadd.s32 s5, s10;
	s13 =	sadd.s32 $0xFC10, s12  }
0x20: {  	s12 =	sadd.s32 $0x10, s12;
	s23 =	simm.s32 $0x1F80;
	s0 =	rddreg [dreg:$0x3]  }
.Ltmp0:
0x21: {  	s18 =	sadd.s32 $0xFFFFFFFF, s26;
	[dreg:$0x9] =	wrdreg s6;
	(pc) =	sbr.rel @!p1 .LBB2_1-.Ltmp0, $4  }
0x22: {  	s26 =	simm.s32 $0x5E80;
	[dreg:$0xa] =	wrdreg s21;
	s6 =	sadd.s32 s5, s22  }
0x23: {  	s7 =	sadd.s32 s5, s7;
	s13 =	sshrl.u32 s13, $0x3;
	s15 =	sshrl.u32 s12, $0x3  }
0x24: {  	s22 =	simm.s32 $0x2760;
	s21 =	simm.s32 $0x4EC0;
	s12 =	sadd.s32 s5, s13  }
0x25: {  	s13 =	sadd.s32 s5, s15;
	s15 =	simm.s32 $0x40;
	s5 =	simm.s32 $0x2  }
0x26: {  	[tilespmem:s2], [sflag:$0x1] =	stream.strided.gather [hbm4b:s0+s14], $0x7E0, s15, s14, $0x38;
	[tilespmem:$0x7E00] =	vst v63  }
0x27: {  	s1 =	rddreg [dreg:$0x4]  }
0x28: {  	[tilespmem:s17], [sflag:$0x1] =	stream.strided.gather [hbm4b:s1+s14], $0x7E0, s15, s14, $0x38;
	[tilespmem:$0x7E00] =	vst v63  }
0x29: {  	s0 =	rddreg [dreg:$0x5]  }
0x2a: {  	[tilespmem:s31], [sflag:$0x1] =	stream.strided.gather [hbm4b:s0+s14], $0x7E0, s15, s14, $0x38;
	[tilespmem:$0x7E00] =	vst v63  }
0x2b: {  	s16 =	rddreg [dreg:$0x6]  }
0x2c: {  	[tilespmem:s24], [sflag:$0x1] =	stream.strided.gather [hbm4b:s16+s14], $0x7E0, s15, s14, $0x38;
	[tilespmem:$0x7E00] =	vst v63  }
0x2d: {  	s0 =	rddreg [dreg:$0x7]  }
0x2e: {  	[tilespmem:s23], [sflag:$0x1] =	stream.strided.gather [hbm4b:s0+s14], $0x7E0, s15, s14, $0x38;
	[tilespmem:$0x7E00] =	vst v63  }
0x2f: {  	s16 =	rddreg [dreg:$0x8]  }
0x30: {  	[tilespmem:s22], [sflag:$0x1] =	stream.strided.gather [hbm4b:s16+s14], $0x7E0, s15, s14, $0x38;
	[tilespmem:$0x7E00] =	vst v63  }
0x31: {  	s0 =	rddreg [dreg:$0x9];
	s16 =	simm.s32 $0x2F40  }
0x32: {  	[tilespmem:s16], [sflag:$0x1] =	stream.strided.gather [hbm4b:s0+s14], $0x7E0, s15, s14, $0x38;
	[tilespmem:$0x7E00] =	vst v63  }
0x33: {  	s1 =	rddreg [dreg:$0xa];
	s16 =	simm.s32 $0x3720  }
0x34: {  	[tilespmem:s16], [sflag:$0x1] =	stream.strided.gather [hbm4b:s1+s14], $0x7E0, s15, s14, $0x38;
	[tilespmem:$0x7E00] =	vst v63  }
0x35: {  	_ = 	snop  }
0x36: {  	[tilespmem:s19], [sflag:$0x1] =	stream.strided.gather [hbm4b:s6+s14], $0x7E0, s15, s14, $0x38;
	[tilespmem:$0x7E00] =	vst v63  }
0x37: {  	_ = 	snop  }
0x38: {  	[tilespmem:s20], [sflag:$0x1] =	stream.strided.gather [hbm4b:s7+s14], $0x7E0, s15, s14, $0x38;
	[tilespmem:$0x7E00] =	vst v63  }
0x39: {  	_ = 	snop  }
0x3a: {  	[tilespmem:s21], [sflag:$0x1] =	stream.strided.gather [hbm4b:s8+s14], $0x7E0, s15, s14, $0x38;
	[tilespmem:$0x7E00] =	vst v63  }
0x3b: {  	_ = 	snop  }
0x3c: {  	[tilespmem:s25], [sflag:$0x1] =	stream.strided.gather [hbm4b:s9+s14], $0x7E0, s15, s14, $0x38;
	[tilespmem:$0x7E00] =	vst v63  }
0x3d: {  	_ = 	snop  }
0x3e: {  	[tilespmem:s26], [sflag:$0x1] =	stream.strided.gather [hbm4b:s10+s14], $0x7E0, s15, s14, $0x38;
	[tilespmem:$0x7E00] =	vst v63  }
0x3f: {  	_ = 	snop  }
0x40: {  	[tilespmem:s28], [sflag:$0x1] =	stream.strided.gather [hbm4b:s11+s14], $0x7E0, s15, s14, $0x38;
	[tilespmem:$0x7E00] =	vst v63  }
0x41: {  	_ = 	snop  }
0x42: {  	[tilespmem:s29], [sflag:$0x1] =	stream.strided.gather [hbm4b:s12+s14], $0x7E0, s15, s14, $0x38;
	[tilespmem:$0x7E00] =	vst v63  }
0x43: {  	_ = 	snop  }
0x44: {  	[tilespmem:s30], [sflag:$0x1] =	stream.strided.gather [hbm4b:s13+s14], $0x7E0, s15, s14, $0x38;
	[tilespmem:$0x7E00] =	vst v63  }
0x45: {  	_ =	swait.ge [sflag:s3], $0x7E0  }
0x46: {  	[sflag:s3] =	ssyncset.done $0x0  }
0x47: {  	[sflag:s3] =	ssyncadd.s32 $0xFFFFF820  }
0x48: {  	_ =	swait.ge [sflag:s3], $0x7E0  }
0x49: {  	[sflag:s3] =	ssyncset.done $0x0  }
0x4a: {  	[sflag:s3] =	ssyncadd.s32 $0xFFFFF820  }
0x4b: {  	_ =	swait.ge [sflag:s3], $0x7E0  }
0x4c: {  	[sflag:s3] =	ssyncset.done $0x0  }
0x4d: {  	[sflag:s3] =	ssyncadd.s32 $0xFFFFF820  }
0x4e: {  	_ =	swait.ge [sflag:s3], $0x7E0  }
0x4f: {  	[sflag:s3] =	ssyncset.done $0x0  }
0x50: {  	[sflag:s3] =	ssyncadd.s32 $0xFFFFF820  }
0x51: {  	_ =	swait.ge [sflag:s3], $0x7E0  }
0x52: {  	[sflag:s3] =	ssyncset.done $0x0  }
0x53: {  	[sflag:s3] =	ssyncadd.s32 $0xFFFFF820  }
0x54: {  	_ =	swait.ge [sflag:s3], $0x7E0  }
0x55: {  	[sflag:s3] =	ssyncset.done $0x0  }
0x56: {  	[sflag:s3] =	ssyncadd.s32 $0xFFFFF820  }
0x57: {  	_ =	swait.ge [sflag:s3], $0x7E0  }
0x58: {  	[sflag:s3] =	ssyncset.done $0x0  }
0x59: {  	[sflag:s3] =	ssyncadd.s32 $0xFFFFF820  }
0x5a: {  	_ =	swait.ge [sflag:s3], $0x7E0  }
0x5b: {  	[sflag:s3] =	ssyncset.done $0x0  }
0x5c: {  	[sflag:s3] =	ssyncadd.s32 $0xFFFFF820  }
0x5d: {  	_ =	swait.ge [sflag:s3], $0x7E0  }
0x5e: {  	[sflag:s3] =	ssyncset.done $0x0  }
0x5f: {  	[sflag:s3] =	ssyncadd.s32 $0xFFFFF820  }
0x60: {  	_ =	swait.ge [sflag:s3], $0x7E0  }
0x61: {  	[sflag:s3] =	ssyncset.done $0x0  }
0x62: {  	[sflag:s3] =	ssyncadd.s32 $0xFFFFF820  }
0x63: {  	_ =	swait.ge [sflag:s3], $0x7E0  }
0x64: {  	[sflag:s3] =	ssyncset.done $0x0  }
0x65: {  	[sflag:s3] =	ssyncadd.s32 $0xFFFFF820  }
0x66: {  	_ =	swait.ge [sflag:s3], $0x7E0  }
0x67: {  	[sflag:s3] =	ssyncset.done $0x0  }
0x68: {  	[sflag:s3] =	ssyncadd.s32 $0xFFFFF820  }
0x69: {  	_ =	swait.ge [sflag:s3], $0x7E0  }
0x6a: {  	[sflag:s3] =	ssyncset.done $0x0  }
0x6b: {  	[sflag:s3] =	ssyncadd.s32 $0xFFFFF820  }
0x6c: {  	_ =	swait.ge [sflag:s3], $0x7E0  }
0x6d: {  	[sflag:s3] =	ssyncset.done $0x0  }
0x6e: {  	[sflag:s3] =	ssyncadd.s32 $0xFFFFF820  }
0x6f: {  	_ =	swait.ge [sflag:s3], $0x7E0  }
0x70: {  	[sflag:s3] =	ssyncset.done $0x0  }
0x71: {  	[sflag:s3] =	ssyncadd.s32 $0xFFFFF820  }
0x72: {  	p1 =	sne.s32 s18, $0x1;
	_ =	swait.ge [sflag:s3], $0x7E0  }
.Ltmp1:
0x73: {  	[sflag:s3] =	ssyncset.done $0x0;
	(pc) =	sbr.rel @!p1 .LBB2_7-.Ltmp1, $4  }
0x74: {  	[sflag:s3] =	ssyncadd.s32 $0xFFFFF820  }
0x75: {  	[hbm4b:s4+s2] =	stream.linear.scatter [tilespmem:s2], [sflag:$0x2], $0x7E00, $0x38;
	[tilespmem:$0x7E00] =	vst v63  }
0x76: {  	p0 =	por $0x1, $0x1;
	_ =	swait.ge [sflag:s5], $0x7E00  }
0x77: {  	s1 =	sadd.s32 $0xFFFFFFFF, s18;
	s0 =	rddreg [dreg:$0x3];
	[sflag:s5] =	ssyncset.done $0x0  }
0x78: {  	s18 =	simm.s32 $0x2F40  }
.LBB2_4:
0x79: {  	[sflag:s5] =	ssyncadd.s32 $0xFFFF8200  }
0x7a: {  	[tilespmem:s2], [sflag:$0x1] =	stream.strided.gather [hbm4b:s0+s14], $0x7E0, s15, s14, $0x38;
	[tilespmem:$0x7E00] =	vst v63  }
0x7b: {  	s16 =	rddreg [dreg:$0x4]  }
0x7c: {  	[tilespmem:s17], [sflag:$0x1] =	stream.strided.gather [hbm4b:s16+s14], $0x7E0, s15, s14, $0x38;
	[tilespmem:$0x7E00] =	vst v63  }
0x7d: {  	s0 =	rddreg [dreg:$0x5]  }
0x7e: {  	[tilespmem:s31], [sflag:$0x1] =	stream.strided.gather [hbm4b:s0+s14], $0x7E0, s15, s14, $0x38;
	[tilespmem:$0x7E00] =	vst v63  }
0x7f: {  	s16 =	rddreg [dreg:$0x6]  }
0x80: {  	[tilespmem:s24], [sflag:$0x1] =	stream.strided.gather [hbm4b:s16+s14], $0x7E0, s15, s14, $0x38;
	[tilespmem:$0x7E00] =	vst v63  }
0x81: {  	s0 =	rddreg [dreg:$0x7]  }
0x82: {  	[tilespmem:s23], [sflag:$0x1] =	stream.strided.gather [hbm4b:s0+s14], $0x7E0, s15, s14, $0x38;
	[tilespmem:$0x7E00] =	vst v63  }
0x83: {  	s16 =	rddreg [dreg:$0x8]  }
0x84: {  	[tilespmem:s22], [sflag:$0x1] =	stream.strided.gather [hbm4b:s16+s14], $0x7E0, s15, s14, $0x38;
	[tilespmem:$0x7E00] =	vst v63  }
0x85: {  	s0 =	rddreg [dreg:$0x9]  }
0x86: {  	[tilespmem:s18], [sflag:$0x1] =	stream.strided.gather [hbm4b:s0+s14], $0x7E0, s15, s14, $0x38;
	[tilespmem:$0x7E00] =	vst v63  }
0x87: {  	s16 =	rddreg [dreg:$0xa];
	s0 =	simm.s32 $0x3720  }
0x88: {  	[tilespmem:s0], [sflag:$0x1] =	stream.strided.gather [hbm4b:s16+s14], $0x7E0, s15, s14, $0x38;
	[tilespmem:$0x7E00] =	vst v63  }
0x89: {  	_ = 	snop  }
0x8a: {  	[tilespmem:s19], [sflag:$0x1] =	stream.strided.gather [hbm4b:s6+s14], $0x7E0, s15, s14, $0x38;
	[tilespmem:$0x7E00] =	vst v63  }
0x8b: {  	_ = 	snop  }
0x8c: {  	[tilespmem:s20], [sflag:$0x1] =	stream.strided.gather [hbm4b:s7+s14], $0x7E0, s15, s14, $0x38;
	[tilespmem:$0x7E00] =	vst v63  }
0x8d: {  	_ = 	snop  }
0x8e: {  	[tilespmem:s21], [sflag:$0x1] =	stream.strided.gather [hbm4b:s8+s14], $0x7E0, s15, s14, $0x38;
	[tilespmem:$0x7E00] =	vst v63  }
0x8f: {  	_ = 	snop  }
0x90: {  	[tilespmem:s25], [sflag:$0x1] =	stream.strided.gather [hbm4b:s9+s14], $0x7E0, s15, s14, $0x38;
	[tilespmem:$0x7E00] =	vst v63  }
0x91: {  	_ = 	snop  }
0x92: {  	[tilespmem:s26], [sflag:$0x1] =	stream.strided.gather [hbm4b:s10+s14], $0x7E0, s15, s14, $0x38;
	[tilespmem:$0x7E00] =	vst v63  }
0x93: {  	_ = 	snop  }
0x94: {  	[tilespmem:s28], [sflag:$0x1] =	stream.strided.gather [hbm4b:s11+s14], $0x7E0, s15, s14, $0x38;
	[tilespmem:$0x7E00] =	vst v63  }
0x95: {  	_ = 	snop  }
0x96: {  	[tilespmem:s29], [sflag:$0x1] =	stream.strided.gather [hbm4b:s12+s14], $0x7E0, s15, s14, $0x38;
	[tilespmem:$0x7E00] =	vst v63  }
0x97: {  	_ = 	snop  }
0x98: {  	[tilespmem:s30], [sflag:$0x1] =	stream.strided.gather [hbm4b:s13+s14], $0x7E0, s15, s14, $0x38;
	[tilespmem:$0x7E00] =	vst v63  }
0x99: {  	_ =	swait.ge [sflag:s3], $0x7E0  }
0x9a: {  	[sflag:s3] =	ssyncset.done $0x0  }
0x9b: {  	[sflag:s3] =	ssyncadd.s32 $0xFFFFF820  }
0x9c: {  	_ =	swait.ge [sflag:s3], $0x7E0  }
0x9d: {  	[sflag:s3] =	ssyncset.done $0x0  }
0x9e: {  	[sflag:s3] =	ssyncadd.s32 $0xFFFFF820  }
0x9f: {  	_ =	swait.ge [sflag:s3], $0x7E0  }
0xa0: {  	[sflag:s3] =	ssyncset.done $0x0  }
0xa1: {  	[sflag:s3] =	ssyncadd.s32 $0xFFFFF820  }
0xa2: {  	_ =	swait.ge [sflag:s3], $0x7E0  }
0xa3: {  	[sflag:s3] =	ssyncset.done $0x0  }
0xa4: {  	[sflag:s3] =	ssyncadd.s32 $0xFFFFF820  }
0xa5: {  	_ =	swait.ge [sflag:s3], $0x7E0  }
0xa6: {  	[sflag:s3] =	ssyncset.done $0x0  }
0xa7: {  	[sflag:s3] =	ssyncadd.s32 $0xFFFFF820  }
0xa8: {  	_ =	swait.ge [sflag:s3], $0x7E0  }
0xa9: {  	[sflag:s3] =	ssyncset.done $0x0  }
0xaa: {  	[sflag:s3] =	ssyncadd.s32 $0xFFFFF820  }
0xab: {  	_ =	swait.ge [sflag:s3], $0x7E0  }
0xac: {  	[sflag:s3] =	ssyncset.done $0x0  }
0xad: {  	[sflag:s3] =	ssyncadd.s32 $0xFFFFF820  }
0xae: {  	_ =	swait.ge [sflag:s3], $0x7E0  }
0xaf: {  	[sflag:s3] =	ssyncset.done $0x0  }
0xb0: {  	[sflag:s3] =	ssyncadd.s32 $0xFFFFF820  }
0xb1: {  	_ =	swait.ge [sflag:s3], $0x7E0  }
0xb2: {  	[sflag:s3] =	ssyncset.done $0x0  }
0xb3: {  	[sflag:s3] =	ssyncadd.s32 $0xFFFFF820  }
0xb4: {  	_ =	swait.ge [sflag:s3], $0x7E0  }
0xb5: {  	[sflag:s3] =	ssyncset.done $0x0  }
0xb6: {  	[sflag:s3] =	ssyncadd.s32 $0xFFFFF820  }
0xb7: {  	_ =	swait.ge [sflag:s3], $0x7E0  }
0xb8: {  	[sflag:s3] =	ssyncset.done $0x0  }
0xb9: {  	[sflag:s3] =	ssyncadd.s32 $0xFFFFF820  }
0xba: {  	_ =	swait.ge [sflag:s3], $0x7E0  }
0xbb: {  	[sflag:s3] =	ssyncset.done $0x0  }
0xbc: {  	[sflag:s3] =	ssyncadd.s32 $0xFFFFF820  }
0xbd: {  	_ =	swait.ge [sflag:s3], $0x7E0  }
0xbe: {  	[sflag:s3] =	ssyncset.done $0x0  }
0xbf: {  	[sflag:s3] =	ssyncadd.s32 $0xFFFFF820  }
0xc0: {  	_ =	swait.ge [sflag:s3], $0x7E0  }
0xc1: {  	[sflag:s3] =	ssyncset.done $0x0  }
0xc2: {  	[sflag:s3] =	ssyncadd.s32 $0xFFFFF820  }
0xc3: {  	_ =	swait.ge [sflag:s3], $0x7E0  }
0xc4: {  	[sflag:s3] =	ssyncset.done $0x0  }
0xc5: {  	[sflag:s3] =	ssyncadd.s32 $0xFFFFF820  }
0xc6: {  	p1 =	sne.s32 s1, $0x1;
	_ =	swait.ge [sflag:s3], $0x7E0  }
.Ltmp2:
0xc7: {  	[sflag:s3] =	ssyncset.done $0x0;
	(pc) =	sbr.rel @p1 .LBB2_4-.Ltmp2, $4  }
0xc8: {  	[sflag:s3] =	ssyncadd.s32 $0xFFFFF820  }
0xc9: {  	[hbm4b:s4+s2] =	stream.linear.scatter [tilespmem:s2], [sflag:$0x2], $0x7E00, $0x38;
	[tilespmem:$0x7E00] =	vst v63  }
0xca: {  	_ =	swait.ge [sflag:s5], $0x7E00  }
0xcb: {  	s1 =	sadd.s32 $0xFFFFFFFF, s1;
	s0 =	rddreg [dreg:$0x3];
	[sflag:s5] =	ssyncset.done $0x0  }
0xcc: {  	s16 =	simm.s32 $0x7E0;
	s31 =	simm.s32 $0xFC0;
	s30 =	simm.s32 $0x7620  }
0xcd: {  	s29 =	simm.s32 $0x6E40;
	s28 =	simm.s32 $0x6660;
	s26 =	simm.s32 $0x5E80  }
0xce: {  	s25 =	simm.s32 $0x56A0;
	s24 =	simm.s32 $0x17A0;
	s23 =	simm.s32 $0x1F80  }
0xcf: {  	s22 =	simm.s32 $0x2760;
	s21 =	simm.s32 $0x4EC0;
	s20 =	simm.s32 $0x46E0  }
0xd0: {  	s19 =	simm.s32 $0x3F00;
	s18 =	simm.s32 $0x3720;
	s17 =	simm.s32 $0x2F40  }
.LBB2_6:
0xd1: {  	[sflag:s5] =	ssyncadd.s32 @p0 $0xFFFF8200  }
0xd2: {  	[tilespmem:s2], [sflag:$0x1] =	stream.strided.gather [hbm4b:s0+s14], $0x7E0, s15, s14, $0x38;
	[tilespmem:$0x7E00] =	vst v63  }
0xd3: {  	s1 =	rddreg [dreg:$0x4]  }
0xd4: {  	[tilespmem:s16], [sflag:$0x1] =	stream.strided.gather [hbm4b:s1+s14], $0x7E0, s15, s14, $0x38;
	[tilespmem:$0x7E00] =	vst v63  }
0xd5: {  	s0 =	rddreg [dreg:$0x5]  }
0xd6: {  	[tilespmem:s31], [sflag:$0x1] =	stream.strided.gather [hbm4b:s0+s14], $0x7E0, s15, s14, $0x38;
	[tilespmem:$0x7E00] =	vst v63  }
0xd7: {  	s16 =	rddreg [dreg:$0x6]  }
0xd8: {  	[tilespmem:s24], [sflag:$0x1] =	stream.strided.gather [hbm4b:s16+s14], $0x7E0, s15, s14, $0x38;
	[tilespmem:$0x7E00] =	vst v63  }
0xd9: {  	s31 =	rddreg [dreg:$0x7]  }
0xda: {  	[tilespmem:s23], [sflag:$0x1] =	stream.strided.gather [hbm4b:s31+s14], $0x7E0, s15, s14, $0x38;
	[tilespmem:$0x7E00] =	vst v63  }
0xdb: {  	s16 =	rddreg [dreg:$0x8]  }
0xdc: {  	[tilespmem:s22], [sflag:$0x1] =	stream.strided.gather [hbm4b:s16+s14], $0x7E0, s15, s14, $0x38;
	[tilespmem:$0x7E00] =	vst v63  }
0xdd: {  	s23 =	rddreg [dreg:$0x9]  }
0xde: {  	[tilespmem:s17], [sflag:$0x1] =	stream.strided.gather [hbm4b:s23+s14], $0x7E0, s15, s14, $0x38;
	[tilespmem:$0x7E00] =	vst v63  }
0xdf: {  	s24 =	rddreg [dreg:$0xa]  }
0xe0: {  	[tilespmem:s18], [sflag:$0x1] =	stream.strided.gather [hbm4b:s24+s14], $0x7E0, s15, s14, $0x38;
	[tilespmem:$0x7E00] =	vst v63  }
0xe1: {  	_ = 	snop  }
0xe2: {  	[tilespmem:s19], [sflag:$0x1] =	stream.strided.gather [hbm4b:s6+s14], $0x7E0, s15, s14, $0x38;
	[tilespmem:$0x7E00] =	vst v63  }
0xe3: {  	_ = 	snop  }
0xe4: {  	[tilespmem:s20], [sflag:$0x1] =	stream.strided.gather [hbm4b:s7+s14], $0x7E0, s15, s14, $0x38;
	[tilespmem:$0x7E00] =	vst v63  }
0xe5: {  	_ = 	snop  }
0xe6: {  	[tilespmem:s21], [sflag:$0x1] =	stream.strided.gather [hbm4b:s8+s14], $0x7E0, s15, s14, $0x38;
	[tilespmem:$0x7E00] =	vst v63  }
0xe7: {  	_ = 	snop  }
0xe8: {  	[tilespmem:s25], [sflag:$0x1] =	stream.strided.gather [hbm4b:s9+s14], $0x7E0, s15, s14, $0x38;
	[tilespmem:$0x7E00] =	vst v63  }
0xe9: {  	_ = 	snop  }
0xea: {  	[tilespmem:s26], [sflag:$0x1] =	stream.strided.gather [hbm4b:s10+s14], $0x7E0, s15, s14, $0x38;
	[tilespmem:$0x7E00] =	vst v63  }
0xeb: {  	_ = 	snop  }
0xec: {  	[tilespmem:s28], [sflag:$0x1] =	stream.strided.gather [hbm4b:s11+s14], $0x7E0, s15, s14, $0x38;
	[tilespmem:$0x7E00] =	vst v63  }
0xed: {  	_ = 	snop  }
0xee: {  	[tilespmem:s29], [sflag:$0x1] =	stream.strided.gather [hbm4b:s12+s14], $0x7E0, s15, s14, $0x38;
	[tilespmem:$0x7E00] =	vst v63  }
0xef: {  	_ = 	snop  }
0xf0: {  	[tilespmem:s30], [sflag:$0x1] =	stream.strided.gather [hbm4b:s13+s14], $0x7E0, s15, s14, $0x38;
	[tilespmem:$0x7E00] =	vst v63  }
0xf1: {  	_ =	swait.ge [sflag:s3], $0x7E0  }
0xf2: {  	[sflag:s3] =	ssyncset.done $0x0  }
0xf3: {  	[sflag:s3] =	ssyncadd.s32 $0xFFFFF820  }
0xf4: {  	_ =	swait.ge [sflag:s3], $0x7E0  }
0xf5: {  	[sflag:s3] =	ssyncset.done $0x0  }
0xf6: {  	[sflag:s3] =	ssyncadd.s32 $0xFFFFF820  }
0xf7: {  	_ =	swait.ge [sflag:s3], $0x7E0  }
0xf8: {  	[sflag:s3] =	ssyncset.done $0x0  }
0xf9: {  	[sflag:s3] =	ssyncadd.s32 $0xFFFFF820  }
0xfa: {  	_ =	swait.ge [sflag:s3], $0x7E0  }
0xfb: {  	[sflag:s3] =	ssyncset.done $0x0  }
0xfc: {  	[sflag:s3] =	ssyncadd.s32 $0xFFFFF820  }
0xfd: {  	_ =	swait.ge [sflag:s3], $0x7E0  }
0xfe: {  	[sflag:s3] =	ssyncset.done $0x0  }
0xff: {  	[sflag:s3] =	ssyncadd.s32 $0xFFFFF820  }
0x100: {  	_ =	swait.ge [sflag:s3], $0x7E0  }
0x101: {  	[sflag:s3] =	ssyncset.done $0x0  }
0x102: {  	[sflag:s3] =	ssyncadd.s32 $0xFFFFF820  }
0x103: {  	_ =	swait.ge [sflag:s3], $0x7E0  }
0x104: {  	[sflag:s3] =	ssyncset.done $0x0  }
0x105: {  	[sflag:s3] =	ssyncadd.s32 $0xFFFFF820  }
0x106: {  	_ =	swait.ge [sflag:s3], $0x7E0  }
0x107: {  	[sflag:s3] =	ssyncset.done $0x0  }
0x108: {  	[sflag:s3] =	ssyncadd.s32 $0xFFFFF820  }
0x109: {  	_ =	swait.ge [sflag:s3], $0x7E0  }
0x10a: {  	[sflag:s3] =	ssyncset.done $0x0  }
0x10b: {  	[sflag:s3] =	ssyncadd.s32 $0xFFFFF820  }
0x10c: {  	_ =	swait.ge [sflag:s3], $0x7E0  }
0x10d: {  	[sflag:s3] =	ssyncset.done $0x0  }
0x10e: {  	[sflag:s3] =	ssyncadd.s32 $0xFFFFF820  }
0x10f: {  	_ =	swait.ge [sflag:s3], $0x7E0  }
0x110: {  	[sflag:s3] =	ssyncset.done $0x0  }
0x111: {  	[sflag:s3] =	ssyncadd.s32 $0xFFFFF820  }
0x112: {  	_ =	swait.ge [sflag:s3], $0x7E0  }
0x113: {  	[sflag:s3] =	ssyncset.done $0x0  }
0x114: {  	[sflag:s3] =	ssyncadd.s32 $0xFFFFF820  }
0x115: {  	_ =	swait.ge [sflag:s3], $0x7E0  }
0x116: {  	[sflag:s3] =	ssyncset.done $0x0  }
0x117: {  	[sflag:s3] =	ssyncadd.s32 $0xFFFFF820  }
0x118: {  	_ =	swait.ge [sflag:s3], $0x7E0  }
0x119: {  	[sflag:s3] =	ssyncset.done $0x0  }
0x11a: {  	[sflag:s3] =	ssyncadd.s32 $0xFFFFF820  }
0x11b: {  	_ =	swait.ge [sflag:s3], $0x7E0  }
0x11c: {  	[sflag:s3] =	ssyncset.done $0x0  }
0x11d: {  	[sflag:s3] =	ssyncadd.s32 $0xFFFFF820  }
0x11e: {  	_ =	swait.ge [sflag:s3], $0x7E0  }
0x11f: {  	[sflag:s3] =	ssyncset.done $0x0  }
0x120: {  	[sflag:s3] =	ssyncadd.s32 $0xFFFFF820  }
0x121: {  	[hbm4b:s4+s2] =	stream.linear.scatter [tilespmem:s2], [sflag:$0x2], $0x7E00, $0x38;
	[tilespmem:$0x7E00] =	vst v63  }
0x122: {  	_ =	swait.ge [sflag:s5], $0x7E00  }
0x123: {  	[sflag:s5] =	ssyncset.done $0x0  }
0x124: {  	[sflag:s5] =	ssyncadd.s32 $0xFFFF8200  }
0x125: {  	_ =	sfence.sel $0x180000  }
0x126: {  	[bflag:$0x0] =	sbarrier.arrive $0xFFFF  }
0x127: {  	_ =	strace $0x90000047  }
0x128: {  	s31 =	stileid.u32;
	[bflag:$0x2] =	sbarrier.arrive $0xFFFF  }
0x129: {  	p0 =	sne.s32 s31, $0x0;
	s0 =	rddreg [dreg:$0x2]  }
0x12a: {  	s0 =	sadd.s32 @!p0 $0x100000, s0  }
0x12b: {  	[sflag:s0] =	ssyncadd.tile.s32 @!p0 $0x1;
	_ =	shalt  }
.LBB2_1:
0x12c: {  	s16 =	simm.s32 $0x7E0  }
.Ltmp3:
0x12d: {  	s31 =	simm.s32 $0xFC0;
	s30 =	simm.s32 $0x7620;
	(pc) =	sbr.rel .LBB2_6-.Ltmp3, $4  }
0x12e: {  	s29 =	simm.s32 $0x6E40;
	s28 =	simm.s32 $0x6660;
	s26 =	simm.s32 $0x5E80  }
0x12f: {  	s25 =	simm.s32 $0x56A0;
	s24 =	simm.s32 $0x17A0;
	s23 =	simm.s32 $0x1F80  }
0x130: {  	s22 =	simm.s32 $0x2760;
	s21 =	simm.s32 $0x4EC0;
	s20 =	simm.s32 $0x46E0  }
0x131: {  	s19 =	simm.s32 $0x3F00;
	s18 =	simm.s32 $0x3720;
	s17 =	simm.s32 $0x2F40  }
.LBB2_7:
0x132: {  	s16 =	simm.s32 $0x7E0  }
.Ltmp4:
0x133: {  	s31 =	simm.s32 $0xFC0;
	s30 =	simm.s32 $0x7620;
	(pc) =	sbr.rel .LBB2_6-.Ltmp4, $4  }
0x134: {  	s29 =	simm.s32 $0x6E40;
	s28 =	simm.s32 $0x6660;
	s26 =	simm.s32 $0x5E80  }
0x135: {  	s25 =	simm.s32 $0x56A0;
	s24 =	simm.s32 $0x17A0;
	s23 =	simm.s32 $0x1F80  }
0x136: {  	s22 =	simm.s32 $0x2760;
	s21 =	simm.s32 $0x4EC0;
	s20 =	simm.s32 $0x46E0  }
0x137: {  	s19 =	simm.s32 $0x3F00;
	s18 =	simm.s32 $0x3720;
	s17 =	simm.s32 $0x2F40  }
.Lfunc_end2:
_tile_overlayer_lowered:
.L_overlay_start_2:
0x138: {  	(tag) =	ssettag $0x2  }
0x139: {  	s0 =	rddreg [dreg:$0x0];
	s2 =	stileid.u32  }
0x13a: {  	s1 =	rddreg [dreg:$0x1];
	p0 =	sne.s32 s2, $0x0  }
0x13b: {  	s3 =	rddreg [dreg:$0x2];
	[bflag:$0x3] =	sbarrier.arrive $0xFFFF;
	s2 =	simm.s32 @!p0 $0x1C02  }
0x13c: {  	[timem:s3], [sflag:s2] =	dma.local @!p0 [hbm:s0], s1  }
0x13d: {  	s0 =	simm.s32 @!p0 $0x2  }
0x13e: {  	_ =	swait.ge @!p0 [sflag:s0], s1  }
0x13f: {  	s1 =	ssub.s32 @!p0 $0x0, s1;
	[sflag:s0] =	ssyncset.done @!p0 $0x0  }
0x140: {  	[sflag:s0] =	ssyncadd.s32 @!p0 s1  }
0x141: {  	[bflag:$0x3] =	sbarrier.arrive $0xFFFF  }
0x142: {  	_ =	shalt  }

</sc_bundles>
